<compile_context>
chip_gen: v7x
topology: tpu7x:2x2x1
jax: 0.10.2.dev20260603
libtpu: 0.0.44.dev20260713+nightly
codegen_flags: <defaults>
</compile_context>

<pallas_src>
import functools

import jax
import jax.numpy as jnp
from jax import lax
from jax.experimental import pallas as pl
from jax.experimental.pallas import tpu as pltpu
from jax.experimental.pallas import tpu_sc as plsc

NC, NS = 2, 16
NW = NC * NS
B, S, D = 4096, 200, 64
ROW = S * D
RPW = B // NW
CH = 2
NCH = RPW // CH
NBUF = 2


def _sc_body(x_hbm, emb_hbm, out_hbm,
             emb_v, inb0, inb1, outb0, outb1,
             isem0, isem1, osem0, osem1):
    wid = lax.axis_index("s") * NC + lax.axis_index("c")
    inb = (inb0, inb1)
    outb = (outb0, outb1)
    isem = (isem0, isem1)
    osem = (osem0, osem1)

    def start_in(b, j):
        pltpu.async_copy(x_hbm.at[wid, pl.ds(j * CH, CH)], inb[b], isem[b])

    def wait_in(b, j):
        pltpu.make_async_copy(x_hbm.at[wid, pl.ds(j * CH, CH)], inb[b],
                              isem[b]).wait()

    def start_out(b, j):
        pltpu.async_copy(outb[b], out_hbm.at[wid, pl.ds(j * CH, CH)], osem[b])

    def wait_out(b, j):
        pltpu.make_async_copy(outb[b], out_hbm.at[wid, pl.ds(j * CH, CH)],
                              osem[b]).wait()

    def compute(b):
        for r in range(CH):
            @plsc.parallel_loop(0, ROW, step=16, unroll=8)
            def _(i):
                sl = pl.ds(i, 16)
                xv = inb[b][r, sl]
                ev = emb_v[sl]
                outb[b][r, sl] = jnp.where(xv == 0.0, 0.0, xv + ev)

    for b in range(NBUF):
        start_in(b, b)
    pltpu.sync_copy(emb_hbm, emb_v)

    for b in range(NBUF):
        wait_in(b, b)
        compute(b)
        start_out(b, b)
        start_in(b, b + NBUF)

    @pl.loop(NBUF, NCH - NBUF, step=NBUF)
    def _(j0):
        for b in range(NBUF):
            j = j0 + b
            wait_in(b, j)
            wait_out(b, j - NBUF)
            compute(b)
            start_out(b, j)
            start_in(b, j + NBUF)

    for b in range(NBUF):
        j = NCH - NBUF + b
        wait_in(b, j)
        wait_out(b, j - NBUF)
        compute(b)
        start_out(b, j)
    for b in range(NBUF):
        wait_out(b, NCH - NBUF + b)


_sc_kernel_cache = []


def _get_sc_kernel():
    if not _sc_kernel_cache:
        _sc_kernel_cache.append(functools.partial(
            pl.kernel,
            out_type=jax.ShapeDtypeStruct((NW, RPW, ROW), jnp.float32),
            mesh=plsc.VectorSubcoreMesh(
                core_axis_name="c", subcore_axis_name="s",
                num_cores=NC, num_subcores=NS),
            scratch_types=[
                pltpu.VMEM((ROW,), jnp.float32),
                pltpu.VMEM((CH, ROW), jnp.float32),
                pltpu.VMEM((CH, ROW), jnp.float32),
                pltpu.VMEM((CH, ROW), jnp.float32),
                pltpu.VMEM((CH, ROW), jnp.float32),
                pltpu.SemaphoreType.DMA,
                pltpu.SemaphoreType.DMA,
                pltpu.SemaphoreType.DMA,
                pltpu.SemaphoreType.DMA,
            ],
        )(_sc_body))
    return _sc_kernel_cache[0]


def kernel(x, pos_emb):
    x3 = x.reshape(NW, RPW, ROW)
    out = _get_sc_kernel()(x3, pos_emb.reshape(ROW))
    return out.reshape(B, S, D)

# --- scband reference (transcript-rebuilt; emitter-appended) ---
"""Pipeline reference for scband-positional-encoder-simple-mask-35828617183362 (READ-ONLY COPY).

The authoritative reference and input builder live on the scoring server;
editing this copy changes nothing except your own understanding.
"""

import jax, jax.numpy as jnp
import numpy as np

MODEL_DIM = 64
MAX_SEQ_LEN = 200
BATCH = 4096
SEQ = 200


def setup_inputs(seed: int = 0) -> dict:
    key = jax.random.key(seed)
    k1, k2 = jax.random.split(key)
    x = jax.random.normal(k1, (BATCH, SEQ, MODEL_DIM), dtype=jnp.float32)
    pos_emb = jax.random.normal(k2, (MAX_SEQ_LEN, MODEL_DIM), dtype=jnp.float32) * 0.02
    return {"x": x, "pos_emb": pos_emb}


def reference(x, pos_emb):
    n = x.shape[1]
    # embedding lookup: gather rows 0..n-1 from the positional table
    emb = jnp.take(pos_emb, jnp.arange(n), axis=0)  # [n, model_dim]
    mask = (x == 0)
    out = x + emb[None, :, :]
    out = jnp.where(mask, jnp.zeros_like(out), out)
    return out

if __name__ == "__main__":
    import jax
    _d = setup_inputs()
    print(jax.jit(kernel)(*tuple(_d.values())))

</pallas_src>

<mosaic_0001>
#map = affine_map<(d0, d1) -> (0, 0, 0)>
#map1 = affine_map<(d0, d1) -> (0)>
module attributes {stable_mosaic.version = 14 : i64} {
  func.func @_sc_body(%arg0: i32, %arg1: i32, %arg2: memref<32x128x12800xf32, #tpu.memory_space<hbm>>, %arg3: memref<12800xf32, #tpu.memory_space<hbm>>, %arg4: memref<32x128x12800xf32, #tpu.memory_space<hbm>>, %arg5: memref<12800xf32, #tpu.memory_space<vmem>>, %arg6: memref<2x12800xf32, #tpu.memory_space<vmem>>, %arg7: memref<2x12800xf32, #tpu.memory_space<vmem>>, %arg8: memref<2x12800xf32, #tpu.memory_space<vmem>>, %arg9: memref<2x12800xf32, #tpu.memory_space<vmem>>, %arg10: memref<!tpu.dma_semaphore, #tpu.memory_space<semaphore_mem>>, %arg11: memref<!tpu.dma_semaphore, #tpu.memory_space<semaphore_mem>>, %arg12: memref<!tpu.dma_semaphore, #tpu.memory_space<semaphore_mem>>, %arg13: memref<!tpu.dma_semaphore, #tpu.memory_space<semaphore_mem>>) attributes {dimension_semantics = [#tpu.dimension_semantics<core_parallel>, #tpu.dimension_semantics<subcore_parallel>], iteration_bounds = array<i64: 2, 16>, scalar_prefetch = 0 : i64, scratch_operands = 9 : i64, tpu.core_type = #tpu.core_type<sc_vector_subcore>, window_params = [{transform_indices = #map}, {transform_indices = #map1}, {transform_indices = #map}]} {
    %mul3A = arith.constant 2 : i32
    %mul3A_0 = arith.muli %arg1, %mul3A : i32
    %add3A = arith.addi %mul3A_0, %arg0 : i32
    %dma_start3A = arith.constant 0 : i32
    %dma_start3A_1 = arith.constant 0 : i32
    %dma_start3A_2 = tpu.memref_slice %arg2[%add3A, %dma_start3A, %dma_start3A_1] : memref<32x128x12800xf32, #tpu.memory_space<hbm>> -> memref<1x2x12800xf32, #tpu.memory_space<hbm>>
    %dma_start3A_3 = tpu.memref_squeeze %dma_start3A_2 : memref<1x2x12800xf32, #tpu.memory_space<hbm>> -> memref<2x12800xf32, #tpu.memory_space<hbm>>
    %dma_start3A_4 = arith.constant 0 : i32
    %dma_start3A_5 = arith.constant 0 : i32
    %dma_start3A_6 = tpu.memref_slice %arg2[%add3A, %dma_start3A_4, %dma_start3A_5] : memref<32x128x12800xf32, #tpu.memory_space<hbm>> -> memref<1x2x12800xf32, #tpu.memory_space<hbm>>
    %dma_start3A_7 = tpu.memref_squeeze %dma_start3A_6 : memref<1x2x12800xf32, #tpu.memory_space<hbm>> -> memref<2x12800xf32, #tpu.memory_space<hbm>>
    tpu.enqueue_dma source(%dma_start3A_7 : memref<2x12800xf32, #tpu.memory_space<hbm>>) target(%arg6 : memref<2x12800xf32, #tpu.memory_space<vmem>>) target_semaphore(%arg10 : memref<!tpu.dma_semaphore, #tpu.memory_space<semaphore_mem>>)
    %dma_start3A_8 = arith.constant 2 : i32
    %dma_start3A_9 = arith.constant 0 : i32
    %dma_start3A_10 = tpu.memref_slice %arg2[%add3A, %dma_start3A_8, %dma_start3A_9] : memref<32x128x12800xf32, #tpu.memory_space<hbm>> -> memref<1x2x12800xf32, #tpu.memory_space<hbm>>
    %dma_start3A_11 = tpu.memref_squeeze %dma_start3A_10 : memref<1x2x12800xf32, #tpu.memory_space<hbm>> -> memref<2x12800xf32, #tpu.memory_space<hbm>>
    %dma_start3A_12 = arith.constant 2 : i32
    %dma_start3A_13 = arith.constant 0 : i32
    %dma_start3A_14 = tpu.memref_slice %arg2[%add3A, %dma_start3A_12, %dma_start3A_13] : memref<32x128x12800xf32, #tpu.memory_space<hbm>> -> memref<1x2x12800xf32, #tpu.memory_space<hbm>>
    %dma_start3A_15 = tpu.memref_squeeze %dma_start3A_14 : memref<1x2x12800xf32, #tpu.memory_space<hbm>> -> memref<2x12800xf32, #tpu.memory_space<hbm>>
    tpu.enqueue_dma source(%dma_start3A_15 : memref<2x12800xf32, #tpu.memory_space<hbm>>) target(%arg7 : memref<2x12800xf32, #tpu.memory_space<vmem>>) target_semaphore(%arg11 : memref<!tpu.dma_semaphore, #tpu.memory_space<semaphore_mem>>)
    "tpu.region"() ({
      %run_scoped3A = tpu.sem_alloc : memref<!tpu.dma_semaphore, #tpu.memory_space<semaphore_mem>>
      tpu.enqueue_dma source(%arg3 : memref<12800xf32, #tpu.memory_space<hbm>>) target(%arg5 : memref<12800xf32, #tpu.memory_space<vmem>>) target_semaphore(%run_scoped3A : memref<!tpu.dma_semaphore, #tpu.memory_space<semaphore_mem>>)
      tpu.wait_dma2 semaphore(%run_scoped3A : memref<!tpu.dma_semaphore, #tpu.memory_space<semaphore_mem>>) src(%arg3 : memref<12800xf32, #tpu.memory_space<hbm>>) dst(%arg5 : memref<12800xf32, #tpu.memory_space<vmem>>)
      tpu.yield
    }) : () -> ()
    %dma_wait3A = arith.constant 0 : i32
    %dma_wait3A_16 = arith.constant 0 : i32
    %dma_wait3A_17 = tpu.memref_slice %arg2[%add3A, %dma_wait3A, %dma_wait3A_16] : memref<32x128x12800xf32, #tpu.memory_space<hbm>> -> memref<1x2x12800xf32, #tpu.memory_space<hbm>>
    %dma_wait3A_18 = tpu.memref_squeeze %dma_wait3A_17 : memref<1x2x12800xf32, #tpu.memory_space<hbm>> -> memref<2x12800xf32, #tpu.memory_space<hbm>>
    %dma_wait3A_19 = arith.constant 0 : i32
    %dma_wait3A_20 = arith.constant 0 : i32
    %dma_wait3A_21 = tpu.memref_slice %arg2[%add3A, %dma_wait3A_19, %dma_wait3A_20] : memref<32x128x12800xf32, #tpu.memory_space<hbm>> -> memref<1x2x12800xf32, #tpu.memory_space<hbm>>
    %dma_wait3A_22 = tpu.memref_squeeze %dma_wait3A_21 : memref<1x2x12800xf32, #tpu.memory_space<hbm>> -> memref<2x12800xf32, #tpu.memory_space<hbm>>
    tpu.wait_dma2 semaphore(%arg10 : memref<!tpu.dma_semaphore, #tpu.memory_space<semaphore_mem>>) src(%dma_wait3A_22 : memref<2x12800xf32, #tpu.memory_space<hbm>>) dst(%arg6 : memref<2x12800xf32, #tpu.memory_space<vmem>>)
    %parallel_loop3A = arith.constant 0 : i32
    %parallel_loop3A_23 = arith.constant 12800 : i32
    %parallel_loop3A_24 = arith.constant 16 : i32
    scf.for %parallel_loop3A_154 = %parallel_loop3A to %parallel_loop3A_23 step %parallel_loop3A_24  : i32 {
      %parallel_loop3A_155 = arith.constant 0 : i32
      %parallel_loop3A_156 = arith.index_cast %parallel_loop3A_155 : i32 to index
      %parallel_loop3A_157 = arith.index_cast %parallel_loop3A_154 : i32 to index
      %parallel_loop3A_158 = tpu.vector_load %arg6[%parallel_loop3A_156, %parallel_loop3A_157] {strides = array<i32>} : memref<2x12800xf32, #tpu.memory_space<vmem>>, vector<1x16xf32>,
      %parallel_loop3A_159 = vector.shape_cast %parallel_loop3A_158 : vector<1x16xf32> to vector<16xf32>
      %parallel_loop3A_160 = arith.index_cast %parallel_loop3A_154 : i32 to index
      %parallel_loop3A_161 = tpu.vector_load %arg5[%parallel_loop3A_160] {strides = array<i32>} : memref<12800xf32, #tpu.memory_space<vmem>>, vector<16xf32>,
      %parallel_loop3A_162 = vector.shape_cast %parallel_loop3A_161 : vector<16xf32> to vector<16xf32>
      %parallel_loop3A_163 = arith.constant 0.000000e+00 : f32
      %parallel_loop3A_164 = vector.broadcast %parallel_loop3A_163 : f32 to vector<16xf32>
      %parallel_loop3A_165 = arith.cmpf oeq, %parallel_loop3A_159, %parallel_loop3A_164 : vector<16xf32>
      %parallel_loop3A_166 = arith.addf %parallel_loop3A_159, %parallel_loop3A_162 : vector<16xf32>
      %parallel_loop3A_167 = arith.constant 0.000000e+00 : f32
      %parallel_loop3A_168 = vector.broadcast %parallel_loop3A_167 : f32 to vector<16xf32>
      %parallel_loop3A_169 = arith.select %parallel_loop3A_165, %parallel_loop3A_168, %parallel_loop3A_166 : vector<16xi1>, vector<16xf32>
      %parallel_loop3A_170 = arith.constant 0 : i32
      %parallel_loop3A_171 = arith.index_cast %parallel_loop3A_170 : i32 to index
      %parallel_loop3A_172 = arith.index_cast %parallel_loop3A_154 : i32 to index
      %parallel_loop3A_173 = tpu.vector_load %arg8[%parallel_loop3A_171, %parallel_loop3A_172] {strides = array<i32>} : memref<2x12800xf32, #tpu.memory_space<vmem>>, vector<1x16xf32>,
      %parallel_loop3A_174 = vector.shape_cast %parallel_loop3A_173 : vector<1x16xf32> to vector<16xf32>
      %parallel_loop3A_175 = vector.shape_cast %parallel_loop3A_169 : vector<16xf32> to vector<1x16xf32>
      tpu.vector_store %arg8[%parallel_loop3A_171, %parallel_loop3A_172], %parallel_loop3A_175 {strides = array<i32>} : memref<2x12800xf32, #tpu.memory_space<vmem>>, vector<1x16xf32>,
    } {sc.loop_unroll_factor = 8 : i64, sc.parallel_access}
    %parallel_loop3A_25 = arith.constant 0 : i32
    %parallel_loop3A_26 = arith.constant 12800 : i32
    %parallel_loop3A_27 = arith.constant 16 : i32
    scf.for %parallel_loop3A_154 = %parallel_loop3A_25 to %parallel_loop3A_26 step %parallel_loop3A_27  : i32 {
      %parallel_loop3A_155 = arith.constant 1 : i32
      %parallel_loop3A_156 = arith.index_cast %parallel_loop3A_155 : i32 to index
      %parallel_loop3A_157 = arith.index_cast %parallel_loop3A_154 : i32 to index
      %parallel_loop3A_158 = tpu.vector_load %arg6[%parallel_loop3A_156, %parallel_loop3A_157] {strides = array<i32>} : memref<2x12800xf32, #tpu.memory_space<vmem>>, vector<1x16xf32>,
      %parallel_loop3A_159 = vector.shape_cast %parallel_loop3A_158 : vector<1x16xf32> to vector<16xf32>
      %parallel_loop3A_160 = arith.index_cast %parallel_loop3A_154 : i32 to index
      %parallel_loop3A_161 = tpu.vector_load %arg5[%parallel_loop3A_160] {strides = array<i32>} : memref<12800xf32, #tpu.memory_space<vmem>>, vector<16xf32>,
      %parallel_loop3A_162 = vector.shape_cast %parallel_loop3A_161 : vector<16xf32> to vector<16xf32>
      %parallel_loop3A_163 = arith.constant 0.000000e+00 : f32
      %parallel_loop3A_164 = vector.broadcast %parallel_loop3A_163 : f32 to vector<16xf32>
      %parallel_loop3A_165 = arith.cmpf oeq, %parallel_loop3A_159, %parallel_loop3A_164 : vector<16xf32>
      %parallel_loop3A_166 = arith.addf %parallel_loop3A_159, %parallel_loop3A_162 : vector<16xf32>
      %parallel_loop3A_167 = arith.constant 0.000000e+00 : f32
      %parallel_loop3A_168 = vector.broadcast %parallel_loop3A_167 : f32 to vector<16xf32>
      %parallel_loop3A_169 = arith.select %parallel_loop3A_165, %parallel_loop3A_168, %parallel_loop3A_166 : vector<16xi1>, vector<16xf32>
      %parallel_loop3A_170 = arith.constant 1 : i32
      %parallel_loop3A_171 = arith.index_cast %parallel_loop3A_170 : i32 to index
      %parallel_loop3A_172 = arith.index_cast %parallel_loop3A_154 : i32 to index
      %parallel_loop3A_173 = tpu.vector_load %arg8[%parallel_loop3A_171, %parallel_loop3A_172] {strides = array<i32>} : memref<2x12800xf32, #tpu.memory_space<vmem>>, vector<1x16xf32>,
      %parallel_loop3A_174 = vector.shape_cast %parallel_loop3A_173 : vector<1x16xf32> to vector<16xf32>
      %parallel_loop3A_175 = vector.shape_cast %parallel_loop3A_169 : vector<16xf32> to vector<1x16xf32>
      tpu.vector_store %arg8[%parallel_loop3A_171, %parallel_loop3A_172], %parallel_loop3A_175 {strides = array<i32>} : memref<2x12800xf32, #tpu.memory_space<vmem>>, vector<1x16xf32>,
    } {sc.loop_unroll_factor = 8 : i64, sc.parallel_access}
    %dma_start3A_28 = arith.constant 0 : i32
    %dma_start3A_29 = arith.constant 0 : i32
    %dma_start3A_30 = tpu.memref_slice %arg4[%add3A, %dma_start3A_28, %dma_start3A_29] : memref<32x128x12800xf32, #tpu.memory_space<hbm>> -> memref<1x2x12800xf32, #tpu.memory_space<hbm>>
    %dma_start3A_31 = tpu.memref_squeeze %dma_start3A_30 : memref<1x2x12800xf32, #tpu.memory_space<hbm>> -> memref<2x12800xf32, #tpu.memory_space<hbm>>
    %dma_start3A_32 = arith.constant 0 : i32
    %dma_start3A_33 = arith.constant 0 : i32
    %dma_start3A_34 = tpu.memref_slice %arg4[%add3A, %dma_start3A_32, %dma_start3A_33] : memref<32x128x12800xf32, #tpu.memory_space<hbm>> -> memref<1x2x12800xf32, #tpu.memory_space<hbm>>
    %dma_start3A_35 = tpu.memref_squeeze %dma_start3A_34 : memref<1x2x12800xf32, #tpu.memory_space<hbm>> -> memref<2x12800xf32, #tpu.memory_space<hbm>>
    tpu.enqueue_dma source(%arg8 : memref<2x12800xf32, #tpu.memory_space<vmem>>) target(%dma_start3A_35 : memref<2x12800xf32, #tpu.memory_space<hbm>>) target_semaphore(%arg12 : memref<!tpu.dma_semaphore, #tpu.memory_space<semaphore_mem>>)
    %dma_start3A_36 = arith.constant 4 : i32
    %dma_start3A_37 = arith.constant 0 : i32
    %dma_start3A_38 = tpu.memref_slice %arg2[%add3A, %dma_start3A_36, %dma_start3A_37] : memref<32x128x12800xf32, #tpu.memory_space<hbm>> -> memref<1x2x12800xf32, #tpu.memory_space<hbm>>
    %dma_start3A_39 = tpu.memref_squeeze %dma_start3A_38 : memref<1x2x12800xf32, #tpu.memory_space<hbm>> -> memref<2x12800xf32, #tpu.memory_space<hbm>>
    %dma_start3A_40 = arith.constant 4 : i32
    %dma_start3A_41 = arith.constant 0 : i32
    %dma_start3A_42 = tpu.memref_slice %arg2[%add3A, %dma_start3A_40, %dma_start3A_41] : memref<32x128x12800xf32, #tpu.memory_space<hbm>> -> memref<1x2x12800xf32, #tpu.memory_space<hbm>>
    %dma_start3A_43 = tpu.memref_squeeze %dma_start3A_42 : memref<1x2x12800xf32, #tpu.memory_space<hbm>> -> memref<2x12800xf32, #tpu.memory_space<hbm>>
    tpu.enqueue_dma source(%dma_start3A_43 : memref<2x12800xf32, #tpu.memory_space<hbm>>) target(%arg6 : memref<2x12800xf32, #tpu.memory_space<vmem>>) target_semaphore(%arg10 : memref<!tpu.dma_semaphore, #tpu.memory_space<semaphore_mem>>)
    %dma_wait3A_44 = arith.constant 2 : i32
    %dma_wait3A_45 = arith.constant 0 : i32
    %dma_wait3A_46 = tpu.memref_slice %arg2[%add3A, %dma_wait3A_44, %dma_wait3A_45] : memref<32x128x12800xf32, #tpu.memory_space<hbm>> -> memref<1x2x12800xf32, #tpu.memory_space<hbm>>
    %dma_wait3A_47 = tpu.memref_squeeze %dma_wait3A_46 : memref<1x2x12800xf32, #tpu.memory_space<hbm>> -> memref<2x12800xf32, #tpu.memory_space<hbm>>
    %dma_wait3A_48 = arith.constant 2 : i32
    %dma_wait3A_49 = arith.constant 0 : i32
    %dma_wait3A_50 = tpu.memref_slice %arg2[%add3A, %dma_wait3A_48, %dma_wait3A_49] : memref<32x128x12800xf32, #tpu.memory_space<hbm>> -> memref<1x2x12800xf32, #tpu.memory_space<hbm>>
    %dma_wait3A_51 = tpu.memref_squeeze %dma_wait3A_50 : memref<1x2x12800xf32, #tpu.memory_space<hbm>> -> memref<2x12800xf32, #tpu.memory_space<hbm>>
    tpu.wait_dma2 semaphore(%arg11 : memref<!tpu.dma_semaphore, #tpu.memory_space<semaphore_mem>>) src(%dma_wait3A_51 : memref<2x12800xf32, #tpu.memory_space<hbm>>) dst(%arg7 : memref<2x12800xf32, #tpu.memory_space<vmem>>)
    %parallel_loop3A_52 = arith.constant 0 : i32
    %parallel_loop3A_53 = arith.constant 12800 : i32
    %parallel_loop3A_54 = arith.constant 16 : i32
    scf.for %parallel_loop3A_154 = %parallel_loop3A_52 to %parallel_loop3A_53 step %parallel_loop3A_54  : i32 {
      %parallel_loop3A_155 = arith.constant 0 : i32
      %parallel_loop3A_156 = arith.index_cast %parallel_loop3A_155 : i32 to index
      %parallel_loop3A_157 = arith.index_cast %parallel_loop3A_154 : i32 to index
      %parallel_loop3A_158 = tpu.vector_load %arg7[%parallel_loop3A_156, %parallel_loop3A_157] {strides = array<i32>} : memref<2x12800xf32, #tpu.memory_space<vmem>>, vector<1x16xf32>,
      %parallel_loop3A_159 = vector.shape_cast %parallel_loop3A_158 : vector<1x16xf32> to vector<16xf32>
      %parallel_loop3A_160 = arith.index_cast %parallel_loop3A_154 : i32 to index
      %parallel_loop3A_161 = tpu.vector_load %arg5[%parallel_loop3A_160] {strides = array<i32>} : memref<12800xf32, #tpu.memory_space<vmem>>, vector<16xf32>,
      %parallel_loop3A_162 = vector.shape_cast %parallel_loop3A_161 : vector<16xf32> to vector<16xf32>
      %parallel_loop3A_163 = arith.constant 0.000000e+00 : f32
      %parallel_loop3A_164 = vector.broadcast %parallel_loop3A_163 : f32 to vector<16xf32>
      %parallel_loop3A_165 = arith.cmpf oeq, %parallel_loop3A_159, %parallel_loop3A_164 : vector<16xf32>
      %parallel_loop3A_166 = arith.addf %parallel_loop3A_159, %parallel_loop3A_162 : vector<16xf32>
      %parallel_loop3A_167 = arith.constant 0.000000e+00 : f32
      %parallel_loop3A_168 = vector.broadcast %parallel_loop3A_167 : f32 to vector<16xf32>
      %parallel_loop3A_169 = arith.select %parallel_loop3A_165, %parallel_loop3A_168, %parallel_loop3A_166 : vector<16xi1>, vector<16xf32>
      %parallel_loop3A_170 = arith.constant 0 : i32
      %parallel_loop3A_171 = arith.index_cast %parallel_loop3A_170 : i32 to index
      %parallel_loop3A_172 = arith.index_cast %parallel_loop3A_154 : i32 to index
      %parallel_loop3A_173 = tpu.vector_load %arg9[%parallel_loop3A_171, %parallel_loop3A_172] {strides = array<i32>} : memref<2x12800xf32, #tpu.memory_space<vmem>>, vector<1x16xf32>,
      %parallel_loop3A_174 = vector.shape_cast %parallel_loop3A_173 : vector<1x16xf32> to vector<16xf32>
      %parallel_loop3A_175 = vector.shape_cast %parallel_loop3A_169 : vector<16xf32> to vector<1x16xf32>
      tpu.vector_store %arg9[%parallel_loop3A_171, %parallel_loop3A_172], %parallel_loop3A_175 {strides = array<i32>} : memref<2x12800xf32, #tpu.memory_space<vmem>>, vector<1x16xf32>,
    } {sc.loop_unroll_factor = 8 : i64, sc.parallel_access}
    %parallel_loop3A_55 = arith.constant 0 : i32
    %parallel_loop3A_56 = arith.constant 12800 : i32
    %parallel_loop3A_57 = arith.constant 16 : i32
    scf.for %parallel_loop3A_154 = %parallel_loop3A_55 to %parallel_loop3A_56 step %parallel_loop3A_57  : i32 {
      %parallel_loop3A_155 = arith.constant 1 : i32
      %parallel_loop3A_156 = arith.index_cast %parallel_loop3A_155 : i32 to index
      %parallel_loop3A_157 = arith.index_cast %parallel_loop3A_154 : i32 to index
      %parallel_loop3A_158 = tpu.vector_load %arg7[%parallel_loop3A_156, %parallel_loop3A_157] {strides = array<i32>} : memref<2x12800xf32, #tpu.memory_space<vmem>>, vector<1x16xf32>,
      %parallel_loop3A_159 = vector.shape_cast %parallel_loop3A_158 : vector<1x16xf32> to vector<16xf32>
      %parallel_loop3A_160 = arith.index_cast %parallel_loop3A_154 : i32 to index
      %parallel_loop3A_161 = tpu.vector_load %arg5[%parallel_loop3A_160] {strides = array<i32>} : memref<12800xf32, #tpu.memory_space<vmem>>, vector<16xf32>,
      %parallel_loop3A_162 = vector.shape_cast %parallel_loop3A_161 : vector<16xf32> to vector<16xf32>
      %parallel_loop3A_163 = arith.constant 0.000000e+00 : f32
      %parallel_loop3A_164 = vector.broadcast %parallel_loop3A_163 : f32 to vector<16xf32>
      %parallel_loop3A_165 = arith.cmpf oeq, %parallel_loop3A_159, %parallel_loop3A_164 : vector<16xf32>
      %parallel_loop3A_166 = arith.addf %parallel_loop3A_159, %parallel_loop3A_162 : vector<16xf32>
      %parallel_loop3A_167 = arith.constant 0.000000e+00 : f32
      %parallel_loop3A_168 = vector.broadcast %parallel_loop3A_167 : f32 to vector<16xf32>
      %parallel_loop3A_169 = arith.select %parallel_loop3A_165, %parallel_loop3A_168, %parallel_loop3A_166 : vector<16xi1>, vector<16xf32>
      %parallel_loop3A_170 = arith.constant 1 : i32
      %parallel_loop3A_171 = arith.index_cast %parallel_loop3A_170 : i32 to index
      %parallel_loop3A_172 = arith.index_cast %parallel_loop3A_154 : i32 to index
      %parallel_loop3A_173 = tpu.vector_load %arg9[%parallel_loop3A_171, %parallel_loop3A_172] {strides = array<i32>} : memref<2x12800xf32, #tpu.memory_space<vmem>>, vector<1x16xf32>,
      %parallel_loop3A_174 = vector.shape_cast %parallel_loop3A_173 : vector<1x16xf32> to vector<16xf32>
      %parallel_loop3A_175 = vector.shape_cast %parallel_loop3A_169 : vector<16xf32> to vector<1x16xf32>
      tpu.vector_store %arg9[%parallel_loop3A_171, %parallel_loop3A_172], %parallel_loop3A_175 {strides = array<i32>} : memref<2x12800xf32, #tpu.memory_space<vmem>>, vector<1x16xf32>,
    } {sc.loop_unroll_factor = 8 : i64, sc.parallel_access}
    %dma_start3A_58 = arith.constant 2 : i32
    %dma_start3A_59 = arith.constant 0 : i32
    %dma_start3A_60 = tpu.memref_slice %arg4[%add3A, %dma_start3A_58, %dma_start3A_59] : memref<32x128x12800xf32, #tpu.memory_space<hbm>> -> memref<1x2x12800xf32, #tpu.memory_space<hbm>>
    %dma_start3A_61 = tpu.memref_squeeze %dma_start3A_60 : memref<1x2x12800xf32, #tpu.memory_space<hbm>> -> memref<2x12800xf32, #tpu.memory_space<hbm>>
    %dma_start3A_62 = arith.constant 2 : i32
    %dma_start3A_63 = arith.constant 0 : i32
    %dma_start3A_64 = tpu.memref_slice %arg4[%add3A, %dma_start3A_62, %dma_start3A_63] : memref<32x128x12800xf32, #tpu.memory_space<hbm>> -> memref<1x2x12800xf32, #tpu.memory_space<hbm>>
    %dma_start3A_65 = tpu.memref_squeeze %dma_start3A_64 : memref<1x2x12800xf32, #tpu.memory_space<hbm>> -> memref<2x12800xf32, #tpu.memory_space<hbm>>
    tpu.enqueue_dma source(%arg9 : memref<2x12800xf32, #tpu.memory_space<vmem>>) target(%dma_start3A_65 : memref<2x12800xf32, #tpu.memory_space<hbm>>) target_semaphore(%arg13 : memref<!tpu.dma_semaphore, #tpu.memory_space<semaphore_mem>>)
    %dma_start3A_66 = arith.constant 6 : i32
    %dma_start3A_67 = arith.constant 0 : i32
    %dma_start3A_68 = tpu.memref_slice %arg2[%add3A, %dma_start3A_66, %dma_start3A_67] : memref<32x128x12800xf32, #tpu.memory_space<hbm>> -> memref<1x2x12800xf32, #tpu.memory_space<hbm>>
    %dma_start3A_69 = tpu.memref_squeeze %dma_start3A_68 : memref<1x2x12800xf32, #tpu.memory_space<hbm>> -> memref<2x12800xf32, #tpu.memory_space<hbm>>
    %dma_start3A_70 = arith.constant 6 : i32
    %dma_start3A_71 = arith.constant 0 : i32
    %dma_start3A_72 = tpu.memref_slice %arg2[%add3A, %dma_start3A_70, %dma_start3A_71] : memref<32x128x12800xf32, #tpu.memory_space<hbm>> -> memref<1x2x12800xf32, #tpu.memory_space<hbm>>
    %dma_start3A_73 = tpu.memref_squeeze %dma_start3A_72 : memref<1x2x12800xf32, #tpu.memory_space<hbm>> -> memref<2x12800xf32, #tpu.memory_space<hbm>>
    tpu.enqueue_dma source(%dma_start3A_73 : memref<2x12800xf32, #tpu.memory_space<hbm>>) target(%arg7 : memref<2x12800xf32, #tpu.memory_space<vmem>>) target_semaphore(%arg11 : memref<!tpu.dma_semaphore, #tpu.memory_space<semaphore_mem>>)
    %scan3A = arith.constant 0 : i32
    %scan3A_74 = arith.constant 30 : i32
    %scan3A_75 = arith.addi %scan3A, %scan3A_74 : i32
    %scan3A_76 = arith.constant 1 : i32
    scf.for %scan3A_154 = %scan3A to %scan3A_75 step %scan3A_76  : i32 {
      %mul3A_155 = arith.constant 2 : i32
      %mul3A_156 = arith.muli %scan3A_154, %mul3A_155 : i32
      %add3A_157 = arith.constant 2 : i32
      %add3A_158 = arith.addi %add3A_157, %mul3A_156 : i32
      %add3A_159 = arith.constant 0 : i32
      %add3A_160 = arith.addi %add3A_158, %add3A_159 : i32
      %mul3A_161 = arith.constant 2 : i32
      %mul3A_162 = arith.muli %add3A_160, %mul3A_161 : i32
      %dma_wait3A_163 = arith.constant 0 : i32
      %dma_wait3A_164 = tpu.memref_slice %arg2[%add3A, %mul3A_162, %dma_wait3A_163] : memref<32x128x12800xf32, #tpu.memory_space<hbm>> -> memref<1x2x12800xf32, #tpu.memory_space<hbm>>
      %dma_wait3A_165 = tpu.memref_squeeze %dma_wait3A_164 : memref<1x2x12800xf32, #tpu.memory_space<hbm>> -> memref<2x12800xf32, #tpu.memory_space<hbm>>
      %dma_wait3A_166 = arith.constant 0 : i32
      %dma_wait3A_167 = tpu.memref_slice %arg2[%add3A, %mul3A_162, %dma_wait3A_166] : memref<32x128x12800xf32, #tpu.memory_space<hbm>> -> memref<1x2x12800xf32, #tpu.memory_space<hbm>>
      %dma_wait3A_168 = tpu.memref_squeeze %dma_wait3A_167 : memref<1x2x12800xf32, #tpu.memory_space<hbm>> -> memref<2x12800xf32, #tpu.memory_space<hbm>>
      tpu.wait_dma2 semaphore(%arg10 : memref<!tpu.dma_semaphore, #tpu.memory_space<semaphore_mem>>) src(%dma_wait3A_168 : memref<2x12800xf32, #tpu.memory_space<hbm>>) dst(%arg6 : memref<2x12800xf32, #tpu.memory_space<vmem>>)
      %sub3A = arith.constant 2 : i32
      %sub3A_169 = arith.subi %add3A_160, %sub3A : i32
      %mul3A_170 = arith.constant 2 : i32
      %mul3A_171 = arith.muli %sub3A_169, %mul3A_170 : i32
      %dma_wait3A_172 = arith.constant 0 : i32
      %dma_wait3A_173 = tpu.memref_slice %arg4[%add3A, %mul3A_171, %dma_wait3A_172] : memref<32x128x12800xf32, #tpu.memory_space<hbm>> -> memref<1x2x12800xf32, #tpu.memory_space<hbm>>
      %dma_wait3A_174 = tpu.memref_squeeze %dma_wait3A_173 : memref<1x2x12800xf32, #tpu.memory_space<hbm>> -> memref<2x12800xf32, #tpu.memory_space<hbm>>
      %dma_wait3A_175 = arith.constant 0 : i32
      %dma_wait3A_176 = tpu.memref_slice %arg4[%add3A, %mul3A_171, %dma_wait3A_175] : memref<32x128x12800xf32, #tpu.memory_space<hbm>> -> memref<1x2x12800xf32, #tpu.memory_space<hbm>>
      %dma_wait3A_177 = tpu.memref_squeeze %dma_wait3A_176 : memref<1x2x12800xf32, #tpu.memory_space<hbm>> -> memref<2x12800xf32, #tpu.memory_space<hbm>>
      tpu.wait_dma2 semaphore(%arg12 : memref<!tpu.dma_semaphore, #tpu.memory_space<semaphore_mem>>) src(%arg8 : memref<2x12800xf32, #tpu.memory_space<vmem>>) dst(%dma_wait3A_177 : memref<2x12800xf32, #tpu.memory_space<hbm>>)
      %parallel_loop3A_178 = arith.constant 0 : i32
      %parallel_loop3A_179 = arith.constant 12800 : i32
      %parallel_loop3A_180 = arith.constant 16 : i32
      scf.for %parallel_loop3A_246 = %parallel_loop3A_178 to %parallel_loop3A_179 step %parallel_loop3A_180  : i32 {
        %parallel_loop3A_247 = arith.constant 0 : i32
        %parallel_loop3A_248 = arith.index_cast %parallel_loop3A_247 : i32 to index
        %parallel_loop3A_249 = arith.index_cast %parallel_loop3A_246 : i32 to index
        %parallel_loop3A_250 = tpu.vector_load %arg6[%parallel_loop3A_248, %parallel_loop3A_249] {strides = array<i32>} : memref<2x12800xf32, #tpu.memory_space<vmem>>, vector<1x16xf32>,
        %parallel_loop3A_251 = vector.shape_cast %parallel_loop3A_250 : vector<1x16xf32> to vector<16xf32>
        %parallel_loop3A_252 = arith.index_cast %parallel_loop3A_246 : i32 to index
        %parallel_loop3A_253 = tpu.vector_load %arg5[%parallel_loop3A_252] {strides = array<i32>} : memref<12800xf32, #tpu.memory_space<vmem>>, vector<16xf32>,
        %parallel_loop3A_254 = vector.shape_cast %parallel_loop3A_253 : vector<16xf32> to vector<16xf32>
        %parallel_loop3A_255 = arith.constant 0.000000e+00 : f32
        %parallel_loop3A_256 = vector.broadcast %parallel_loop3A_255 : f32 to vector<16xf32>
        %parallel_loop3A_257 = arith.cmpf oeq, %parallel_loop3A_251, %parallel_loop3A_256 : vector<16xf32>
        %parallel_loop3A_258 = arith.addf %parallel_loop3A_251, %parallel_loop3A_254 : vector<16xf32>
        %parallel_loop3A_259 = arith.constant 0.000000e+00 : f32
        %parallel_loop3A_260 = vector.broadcast %parallel_loop3A_259 : f32 to vector<16xf32>
        %parallel_loop3A_261 = arith.select %parallel_loop3A_257, %parallel_loop3A_260, %parallel_loop3A_258 : vector<16xi1>, vector<16xf32>
        %parallel_loop3A_262 = arith.constant 0 : i32
        %parallel_loop3A_263 = arith.index_cast %parallel_loop3A_262 : i32 to index
        %parallel_loop3A_264 = arith.index_cast %parallel_loop3A_246 : i32 to index
        %parallel_loop3A_265 = tpu.vector_load %arg8[%parallel_loop3A_263, %parallel_loop3A_264] {strides = array<i32>} : memref<2x12800xf32, #tpu.memory_space<vmem>>, vector<1x16xf32>,
        %parallel_loop3A_266 = vector.shape_cast %parallel_loop3A_265 : vector<1x16xf32> to vector<16xf32>
        %parallel_loop3A_267 = vector.shape_cast %parallel_loop3A_261 : vector<16xf32> to vector<1x16xf32>
        tpu.vector_store %arg8[%parallel_loop3A_263, %parallel_loop3A_264], %parallel_loop3A_267 {strides = array<i32>} : memref<2x12800xf32, #tpu.memory_space<vmem>>, vector<1x16xf32>,
      } {sc.loop_unroll_factor = 8 : i64, sc.parallel_access}
      %parallel_loop3A_181 = arith.constant 0 : i32
      %parallel_loop3A_182 = arith.constant 12800 : i32
      %parallel_loop3A_183 = arith.constant 16 : i32
      scf.for %parallel_loop3A_246 = %parallel_loop3A_181 to %parallel_loop3A_182 step %parallel_loop3A_183  : i32 {
        %parallel_loop3A_247 = arith.constant 1 : i32
        %parallel_loop3A_248 = arith.index_cast %parallel_loop3A_247 : i32 to index
        %parallel_loop3A_249 = arith.index_cast %parallel_loop3A_246 : i32 to index
        %parallel_loop3A_250 = tpu.vector_load %arg6[%parallel_loop3A_248, %parallel_loop3A_249] {strides = array<i32>} : memref<2x12800xf32, #tpu.memory_space<vmem>>, vector<1x16xf32>,
        %parallel_loop3A_251 = vector.shape_cast %parallel_loop3A_250 : vector<1x16xf32> to vector<16xf32>
        %parallel_loop3A_252 = arith.index_cast %parallel_loop3A_246 : i32 to index
        %parallel_loop3A_253 = tpu.vector_load %arg5[%parallel_loop3A_252] {strides = array<i32>} : memref<12800xf32, #tpu.memory_space<vmem>>, vector<16xf32>,
        %parallel_loop3A_254 = vector.shape_cast %parallel_loop3A_253 : vector<16xf32> to vector<16xf32>
        %parallel_loop3A_255 = arith.constant 0.000000e+00 : f32
        %parallel_loop3A_256 = vector.broadcast %parallel_loop3A_255 : f32 to vector<16xf32>
        %parallel_loop3A_257 = arith.cmpf oeq, %parallel_loop3A_251, %parallel_loop3A_256 : vector<16xf32>
        %parallel_loop3A_258 = arith.addf %parallel_loop3A_251, %parallel_loop3A_254 : vector<16xf32>
        %parallel_loop3A_259 = arith.constant 0.000000e+00 : f32
        %parallel_loop3A_260 = vector.broadcast %parallel_loop3A_259 : f32 to vector<16xf32>
        %parallel_loop3A_261 = arith.select %parallel_loop3A_257, %parallel_loop3A_260, %parallel_loop3A_258 : vector<16xi1>, vector<16xf32>
        %parallel_loop3A_262 = arith.constant 1 : i32
        %parallel_loop3A_263 = arith.index_cast %parallel_loop3A_262 : i32 to index
        %parallel_loop3A_264 = arith.index_cast %parallel_loop3A_246 : i32 to index
        %parallel_loop3A_265 = tpu.vector_load %arg8[%parallel_loop3A_263, %parallel_loop3A_264] {strides = array<i32>} : memref<2x12800xf32, #tpu.memory_space<vmem>>, vector<1x16xf32>,
        %parallel_loop3A_266 = vector.shape_cast %parallel_loop3A_265 : vector<1x16xf32> to vector<16xf32>
        %parallel_loop3A_267 = vector.shape_cast %parallel_loop3A_261 : vector<16xf32> to vector<1x16xf32>
        tpu.vector_store %arg8[%parallel_loop3A_263, %parallel_loop3A_264], %parallel_loop3A_267 {strides = array<i32>} : memref<2x12800xf32, #tpu.memory_space<vmem>>, vector<1x16xf32>,
      } {sc.loop_unroll_factor = 8 : i64, sc.parallel_access}
      %mul3A_184 = arith.constant 2 : i32
      %mul3A_185 = arith.muli %add3A_160, %mul3A_184 : i32
      %dma_start3A_186 = arith.constant 0 : i32
      %dma_start3A_187 = tpu.memref_slice %arg4[%add3A, %mul3A_185, %dma_start3A_186] : memref<32x128x12800xf32, #tpu.memory_space<hbm>> -> memref<1x2x12800xf32, #tpu.memory_space<hbm>>
      %dma_start3A_188 = tpu.memref_squeeze %dma_start3A_187 : memref<1x2x12800xf32, #tpu.memory_space<hbm>> -> memref<2x12800xf32, #tpu.memory_space<hbm>>
      %dma_start3A_189 = arith.constant 0 : i32
      %dma_start3A_190 = tpu.memref_slice %arg4[%add3A, %mul3A_185, %dma_start3A_189] : memref<32x128x12800xf32, #tpu.memory_space<hbm>> -> memref<1x2x12800xf32, #tpu.memory_space<hbm>>
      %dma_start3A_191 = tpu.memref_squeeze %dma_start3A_190 : memref<1x2x12800xf32, #tpu.memory_space<hbm>> -> memref<2x12800xf32, #tpu.memory_space<hbm>>
      tpu.enqueue_dma source(%arg8 : memref<2x12800xf32, #tpu.memory_space<vmem>>) target(%dma_start3A_191 : memref<2x12800xf32, #tpu.memory_space<hbm>>) target_semaphore(%arg12 : memref<!tpu.dma_semaphore, #tpu.memory_space<semaphore_mem>>)
      %add3A_192 = arith.constant 2 : i32
      %add3A_193 = arith.addi %add3A_160, %add3A_192 : i32
      %mul3A_194 = arith.constant 2 : i32
      %mul3A_195 = arith.muli %add3A_193, %mul3A_194 : i32
      %dma_start3A_196 = arith.constant 0 : i32
      %dma_start3A_197 = tpu.memref_slice %arg2[%add3A, %mul3A_195, %dma_start3A_196] : memref<32x128x12800xf32, #tpu.memory_space<hbm>> -> memref<1x2x12800xf32, #tpu.memory_space<hbm>>
      %dma_start3A_198 = tpu.memref_squeeze %dma_start3A_197 : memref<1x2x12800xf32, #tpu.memory_space<hbm>> -> memref<2x12800xf32, #tpu.memory_space<hbm>>
      %dma_start3A_199 = arith.constant 0 : i32
      %dma_start3A_200 = tpu.memref_slice %arg2[%add3A, %mul3A_195, %dma_start3A_199] : memref<32x128x12800xf32, #tpu.memory_space<hbm>> -> memref<1x2x12800xf32, #tpu.memory_space<hbm>>
      %dma_start3A_201 = tpu.memref_squeeze %dma_start3A_200 : memref<1x2x12800xf32, #tpu.memory_space<hbm>> -> memref<2x12800xf32, #tpu.memory_space<hbm>>
      tpu.enqueue_dma source(%dma_start3A_201 : memref<2x12800xf32, #tpu.memory_space<hbm>>) target(%arg6 : memref<2x12800xf32, #tpu.memory_space<vmem>>) target_semaphore(%arg10 : memref<!tpu.dma_semaphore, #tpu.memory_space<semaphore_mem>>)
      %add3A_202 = arith.constant 1 : i32
      %add3A_203 = arith.addi %add3A_158, %add3A_202 : i32
      %mul3A_204 = arith.constant 2 : i32
      %mul3A_205 = arith.muli %add3A_203, %mul3A_204 : i32
      %dma_wait3A_206 = arith.constant 0 : i32
      %dma_wait3A_207 = tpu.memref_slice %arg2[%add3A, %mul3A_205, %dma_wait3A_206] : memref<32x128x12800xf32, #tpu.memory_space<hbm>> -> memref<1x2x12800xf32, #tpu.memory_space<hbm>>
      %dma_wait3A_208 = tpu.memref_squeeze %dma_wait3A_207 : memref<1x2x12800xf32, #tpu.memory_space<hbm>> -> memref<2x12800xf32, #tpu.memory_space<hbm>>
      %dma_wait3A_209 = arith.constant 0 : i32
      %dma_wait3A_210 = tpu.memref_slice %arg2[%add3A, %mul3A_205, %dma_wait3A_209] : memref<32x128x12800xf32, #tpu.memory_space<hbm>> -> memref<1x2x12800xf32, #tpu.memory_space<hbm>>
      %dma_wait3A_211 = tpu.memref_squeeze %dma_wait3A_210 : memref<1x2x12800xf32, #tpu.memory_space<hbm>> -> memref<2x12800xf32, #tpu.memory_space<hbm>>
      tpu.wait_dma2 semaphore(%arg11 : memref<!tpu.dma_semaphore, #tpu.memory_space<semaphore_mem>>) src(%dma_wait3A_211 : memref<2x12800xf32, #tpu.memory_space<hbm>>) dst(%arg7 : memref<2x12800xf32, #tpu.memory_space<vmem>>)
      %sub3A_212 = arith.constant 2 : i32
      %sub3A_213 = arith.subi %add3A_203, %sub3A_212 : i32
      %mul3A_214 = arith.constant 2 : i32
      %mul3A_215 = arith.muli %sub3A_213, %mul3A_214 : i32
      %dma_wait3A_216 = arith.constant 0 : i32
      %dma_wait3A_217 = tpu.memref_slice %arg4[%add3A, %mul3A_215, %dma_wait3A_216] : memref<32x128x12800xf32, #tpu.memory_space<hbm>> -> memref<1x2x12800xf32, #tpu.memory_space<hbm>>
      %dma_wait3A_218 = tpu.memref_squeeze %dma_wait3A_217 : memref<1x2x12800xf32, #tpu.memory_space<hbm>> -> memref<2x12800xf32, #tpu.memory_space<hbm>>
      %dma_wait3A_219 = arith.constant 0 : i32
      %dma_wait3A_220 = tpu.memref_slice %arg4[%add3A, %mul3A_215, %dma_wait3A_219] : memref<32x128x12800xf32, #tpu.memory_space<hbm>> -> memref<1x2x12800xf32, #tpu.memory_space<hbm>>
      %dma_wait3A_221 = tpu.memref_squeeze %dma_wait3A_220 : memref<1x2x12800xf32, #tpu.memory_space<hbm>> -> memref<2x12800xf32, #tpu.memory_space<hbm>>
      tpu.wait_dma2 semaphore(%arg13 : memref<!tpu.dma_semaphore, #tpu.memory_space<semaphore_mem>>) src(%arg9 : memref<2x12800xf32, #tpu.memory_space<vmem>>) dst(%dma_wait3A_221 : memref<2x12800xf32, #tpu.memory_space<hbm>>)
      %parallel_loop3A_222 = arith.constant 0 : i32
      %parallel_loop3A_223 = arith.constant 12800 : i32
      %parallel_loop3A_224 = arith.constant 16 : i32
      scf.for %parallel_loop3A_246 = %parallel_loop3A_222 to %parallel_loop3A_223 step %parallel_loop3A_224  : i32 {
        %parallel_loop3A_247 = arith.constant 0 : i32
        %parallel_loop3A_248 = arith.index_cast %parallel_loop3A_247 : i32 to index
        %parallel_loop3A_249 = arith.index_cast %parallel_loop3A_246 : i32 to index
        %parallel_loop3A_250 = tpu.vector_load %arg7[%parallel_loop3A_248, %parallel_loop3A_249] {strides = array<i32>} : memref<2x12800xf32, #tpu.memory_space<vmem>>, vector<1x16xf32>,
        %parallel_loop3A_251 = vector.shape_cast %parallel_loop3A_250 : vector<1x16xf32> to vector<16xf32>
        %parallel_loop3A_252 = arith.index_cast %parallel_loop3A_246 : i32 to index
        %parallel_loop3A_253 = tpu.vector_load %arg5[%parallel_loop3A_252] {strides = array<i32>} : memref<12800xf32, #tpu.memory_space<vmem>>, vector<16xf32>,
        %parallel_loop3A_254 = vector.shape_cast %parallel_loop3A_253 : vector<16xf32> to vector<16xf32>
        %parallel_loop3A_255 = arith.constant 0.000000e+00 : f32
        %parallel_loop3A_256 = vector.broadcast %parallel_loop3A_255 : f32 to vector<16xf32>
        %parallel_loop3A_257 = arith.cmpf oeq, %parallel_loop3A_251, %parallel_loop3A_256 : vector<16xf32>
        %parallel_loop3A_258 = arith.addf %parallel_loop3A_251, %parallel_loop3A_254 : vector<16xf32>
        %parallel_loop3A_259 = arith.constant 0.000000e+00 : f32
        %parallel_loop3A_260 = vector.broadcast %parallel_loop3A_259 : f32 to vector<16xf32>
        %parallel_loop3A_261 = arith.select %parallel_loop3A_257, %parallel_loop3A_260, %parallel_loop3A_258 : vector<16xi1>, vector<16xf32>
        %parallel_loop3A_262 = arith.constant 0 : i32
        %parallel_loop3A_263 = arith.index_cast %parallel_loop3A_262 : i32 to index
        %parallel_loop3A_264 = arith.index_cast %parallel_loop3A_246 : i32 to index
        %parallel_loop3A_265 = tpu.vector_load %arg9[%parallel_loop3A_263, %parallel_loop3A_264] {strides = array<i32>} : memref<2x12800xf32, #tpu.memory_space<vmem>>, vector<1x16xf32>,
        %parallel_loop3A_266 = vector.shape_cast %parallel_loop3A_265 : vector<1x16xf32> to vector<16xf32>
        %parallel_loop3A_267 = vector.shape_cast %parallel_loop3A_261 : vector<16xf32> to vector<1x16xf32>
        tpu.vector_store %arg9[%parallel_loop3A_263, %parallel_loop3A_264], %parallel_loop3A_267 {strides = array<i32>} : memref<2x12800xf32, #tpu.memory_space<vmem>>, vector<1x16xf32>,
      } {sc.loop_unroll_factor = 8 : i64, sc.parallel_access}
      %parallel_loop3A_225 = arith.constant 0 : i32
      %parallel_loop3A_226 = arith.constant 12800 : i32
      %parallel_loop3A_227 = arith.constant 16 : i32
      scf.for %parallel_loop3A_246 = %parallel_loop3A_225 to %parallel_loop3A_226 step %parallel_loop3A_227  : i32 {
        %parallel_loop3A_247 = arith.constant 1 : i32
        %parallel_loop3A_248 = arith.index_cast %parallel_loop3A_247 : i32 to index
        %parallel_loop3A_249 = arith.index_cast %parallel_loop3A_246 : i32 to index
        %parallel_loop3A_250 = tpu.vector_load %arg7[%parallel_loop3A_248, %parallel_loop3A_249] {strides = array<i32>} : memref<2x12800xf32, #tpu.memory_space<vmem>>, vector<1x16xf32>,
        %parallel_loop3A_251 = vector.shape_cast %parallel_loop3A_250 : vector<1x16xf32> to vector<16xf32>
        %parallel_loop3A_252 = arith.index_cast %parallel_loop3A_246 : i32 to index
        %parallel_loop3A_253 = tpu.vector_load %arg5[%parallel_loop3A_252] {strides = array<i32>} : memref<12800xf32, #tpu.memory_space<vmem>>, vector<16xf32>,
        %parallel_loop3A_254 = vector.shape_cast %parallel_loop3A_253 : vector<16xf32> to vector<16xf32>
        %parallel_loop3A_255 = arith.constant 0.000000e+00 : f32
        %parallel_loop3A_256 = vector.broadcast %parallel_loop3A_255 : f32 to vector<16xf32>
        %parallel_loop3A_257 = arith.cmpf oeq, %parallel_loop3A_251, %parallel_loop3A_256 : vector<16xf32>
        %parallel_loop3A_258 = arith.addf %parallel_loop3A_251, %parallel_loop3A_254 : vector<16xf32>
        %parallel_loop3A_259 = arith.constant 0.000000e+00 : f32
        %parallel_loop3A_260 = vector.broadcast %parallel_loop3A_259 : f32 to vector<16xf32>
        %parallel_loop3A_261 = arith.select %parallel_loop3A_257, %parallel_loop3A_260, %parallel_loop3A_258 : vector<16xi1>, vector<16xf32>
        %parallel_loop3A_262 = arith.constant 1 : i32
        %parallel_loop3A_263 = arith.index_cast %parallel_loop3A_262 : i32 to index
        %parallel_loop3A_264 = arith.index_cast %parallel_loop3A_246 : i32 to index
        %parallel_loop3A_265 = tpu.vector_load %arg9[%parallel_loop3A_263, %parallel_loop3A_264] {strides = array<i32>} : memref<2x12800xf32, #tpu.memory_space<vmem>>, vector<1x16xf32>,
        %parallel_loop3A_266 = vector.shape_cast %parallel_loop3A_265 : vector<1x16xf32> to vector<16xf32>
        %parallel_loop3A_267 = vector.shape_cast %parallel_loop3A_261 : vector<16xf32> to vector<1x16xf32>
        tpu.vector_store %arg9[%parallel_loop3A_263, %parallel_loop3A_264], %parallel_loop3A_267 {strides = array<i32>} : memref<2x12800xf32, #tpu.memory_space<vmem>>, vector<1x16xf32>,
      } {sc.loop_unroll_factor = 8 : i64, sc.parallel_access}
      %mul3A_228 = arith.constant 2 : i32
      %mul3A_229 = arith.muli %add3A_203, %mul3A_228 : i32
      %dma_start3A_230 = arith.constant 0 : i32
      %dma_start3A_231 = tpu.memref_slice %arg4[%add3A, %mul3A_229, %dma_start3A_230] : memref<32x128x12800xf32, #tpu.memory_space<hbm>> -> memref<1x2x12800xf32, #tpu.memory_space<hbm>>
      %dma_start3A_232 = tpu.memref_squeeze %dma_start3A_231 : memref<1x2x12800xf32, #tpu.memory_space<hbm>> -> memref<2x12800xf32, #tpu.memory_space<hbm>>
      %dma_start3A_233 = arith.constant 0 : i32
      %dma_start3A_234 = tpu.memref_slice %arg4[%add3A, %mul3A_229, %dma_start3A_233] : memref<32x128x12800xf32, #tpu.memory_space<hbm>> -> memref<1x2x12800xf32, #tpu.memory_space<hbm>>
      %dma_start3A_235 = tpu.memref_squeeze %dma_start3A_234 : memref<1x2x12800xf32, #tpu.memory_space<hbm>> -> memref<2x12800xf32, #tpu.memory_space<hbm>>
      tpu.enqueue_dma source(%arg9 : memref<2x12800xf32, #tpu.memory_space<vmem>>) target(%dma_start3A_235 : memref<2x12800xf32, #tpu.memory_space<hbm>>) target_semaphore(%arg13 : memref<!tpu.dma_semaphore, #tpu.memory_space<semaphore_mem>>)
      %add3A_236 = arith.constant 2 : i32
      %add3A_237 = arith.addi %add3A_203, %add3A_236 : i32
      %mul3A_238 = arith.constant 2 : i32
      %mul3A_239 = arith.muli %add3A_237, %mul3A_238 : i32
      %dma_start3A_240 = arith.constant 0 : i32
      %dma_start3A_241 = tpu.memref_slice %arg2[%add3A, %mul3A_239, %dma_start3A_240] : memref<32x128x12800xf32, #tpu.memory_space<hbm>> -> memref<1x2x12800xf32, #tpu.memory_space<hbm>>
      %dma_start3A_242 = tpu.memref_squeeze %dma_start3A_241 : memref<1x2x12800xf32, #tpu.memory_space<hbm>> -> memref<2x12800xf32, #tpu.memory_space<hbm>>
      %dma_start3A_243 = arith.constant 0 : i32
      %dma_start3A_244 = tpu.memref_slice %arg2[%add3A, %mul3A_239, %dma_start3A_243] : memref<32x128x12800xf32, #tpu.memory_space<hbm>> -> memref<1x2x12800xf32, #tpu.memory_space<hbm>>
      %dma_start3A_245 = tpu.memref_squeeze %dma_start3A_244 : memref<1x2x12800xf32, #tpu.memory_space<hbm>> -> memref<2x12800xf32, #tpu.memory_space<hbm>>
      tpu.enqueue_dma source(%dma_start3A_245 : memref<2x12800xf32, #tpu.memory_space<hbm>>) target(%arg7 : memref<2x12800xf32, #tpu.memory_space<vmem>>) target_semaphore(%arg11 : memref<!tpu.dma_semaphore, #tpu.memory_space<semaphore_mem>>)
    }
    %scan3A_77 = arith.constant 30 : i32
    %dma_wait3A_78 = arith.constant 124 : i32
    %dma_wait3A_79 = arith.constant 0 : i32
    %dma_wait3A_80 = tpu.memref_slice %arg2[%add3A, %dma_wait3A_78, %dma_wait3A_79] : memref<32x128x12800xf32, #tpu.memory_space<hbm>> -> memref<1x2x12800xf32, #tpu.memory_space<hbm>>
    %dma_wait3A_81 = tpu.memref_squeeze %dma_wait3A_80 : memref<1x2x12800xf32, #tpu.memory_space<hbm>> -> memref<2x12800xf32, #tpu.memory_space<hbm>>
    %dma_wait3A_82 = arith.constant 124 : i32
    %dma_wait3A_83 = arith.constant 0 : i32
    %dma_wait3A_84 = tpu.memref_slice %arg2[%add3A, %dma_wait3A_82, %dma_wait3A_83] : memref<32x128x12800xf32, #tpu.memory_space<hbm>> -> memref<1x2x12800xf32, #tpu.memory_space<hbm>>
    %dma_wait3A_85 = tpu.memref_squeeze %dma_wait3A_84 : memref<1x2x12800xf32, #tpu.memory_space<hbm>> -> memref<2x12800xf32, #tpu.memory_space<hbm>>
    tpu.wait_dma2 semaphore(%arg10 : memref<!tpu.dma_semaphore, #tpu.memory_space<semaphore_mem>>) src(%dma_wait3A_85 : memref<2x12800xf32, #tpu.memory_space<hbm>>) dst(%arg6 : memref<2x12800xf32, #tpu.memory_space<vmem>>)
    %dma_wait3A_86 = arith.constant 120 : i32
    %dma_wait3A_87 = arith.constant 0 : i32
    %dma_wait3A_88 = tpu.memref_slice %arg4[%add3A, %dma_wait3A_86, %dma_wait3A_87] : memref<32x128x12800xf32, #tpu.memory_space<hbm>> -> memref<1x2x12800xf32, #tpu.memory_space<hbm>>
    %dma_wait3A_89 = tpu.memref_squeeze %dma_wait3A_88 : memref<1x2x12800xf32, #tpu.memory_space<hbm>> -> memref<2x12800xf32, #tpu.memory_space<hbm>>
    %dma_wait3A_90 = arith.constant 120 : i32
    %dma_wait3A_91 = arith.constant 0 : i32
    %dma_wait3A_92 = tpu.memref_slice %arg4[%add3A, %dma_wait3A_90, %dma_wait3A_91] : memref<32x128x12800xf32, #tpu.memory_space<hbm>> -> memref<1x2x12800xf32, #tpu.memory_space<hbm>>
    %dma_wait3A_93 = tpu.memref_squeeze %dma_wait3A_92 : memref<1x2x12800xf32, #tpu.memory_space<hbm>> -> memref<2x12800xf32, #tpu.memory_space<hbm>>
    tpu.wait_dma2 semaphore(%arg12 : memref<!tpu.dma_semaphore, #tpu.memory_space<semaphore_mem>>) src(%arg8 : memref<2x12800xf32, #tpu.memory_space<vmem>>) dst(%dma_wait3A_93 : memref<2x12800xf32, #tpu.memory_space<hbm>>)
    %parallel_loop3A_94 = arith.constant 0 : i32
    %parallel_loop3A_95 = arith.constant 12800 : i32
    %parallel_loop3A_96 = arith.constant 16 : i32
    scf.for %parallel_loop3A_154 = %parallel_loop3A_94 to %parallel_loop3A_95 step %parallel_loop3A_96  : i32 {
      %parallel_loop3A_155 = arith.constant 0 : i32
      %parallel_loop3A_156 = arith.index_cast %parallel_loop3A_155 : i32 to index
      %parallel_loop3A_157 = arith.index_cast %parallel_loop3A_154 : i32 to index
      %parallel_loop3A_158 = tpu.vector_load %arg6[%parallel_loop3A_156, %parallel_loop3A_157] {strides = array<i32>} : memref<2x12800xf32, #tpu.memory_space<vmem>>, vector<1x16xf32>,
      %parallel_loop3A_159 = vector.shape_cast %parallel_loop3A_158 : vector<1x16xf32> to vector<16xf32>
      %parallel_loop3A_160 = arith.index_cast %parallel_loop3A_154 : i32 to index
      %parallel_loop3A_161 = tpu.vector_load %arg5[%parallel_loop3A_160] {strides = array<i32>} : memref<12800xf32, #tpu.memory_space<vmem>>, vector<16xf32>,
      %parallel_loop3A_162 = vector.shape_cast %parallel_loop3A_161 : vector<16xf32> to vector<16xf32>
      %parallel_loop3A_163 = arith.constant 0.000000e+00 : f32
      %parallel_loop3A_164 = vector.broadcast %parallel_loop3A_163 : f32 to vector<16xf32>
      %parallel_loop3A_165 = arith.cmpf oeq, %parallel_loop3A_159, %parallel_loop3A_164 : vector<16xf32>
      %parallel_loop3A_166 = arith.addf %parallel_loop3A_159, %parallel_loop3A_162 : vector<16xf32>
      %parallel_loop3A_167 = arith.constant 0.000000e+00 : f32
      %parallel_loop3A_168 = vector.broadcast %parallel_loop3A_167 : f32 to vector<16xf32>
      %parallel_loop3A_169 = arith.select %parallel_loop3A_165, %parallel_loop3A_168, %parallel_loop3A_166 : vector<16xi1>, vector<16xf32>
      %parallel_loop3A_170 = arith.constant 0 : i32
      %parallel_loop3A_171 = arith.index_cast %parallel_loop3A_170 : i32 to index
      %parallel_loop3A_172 = arith.index_cast %parallel_loop3A_154 : i32 to index
      %parallel_loop3A_173 = tpu.vector_load %arg8[%parallel_loop3A_171, %parallel_loop3A_172] {strides = array<i32>} : memref<2x12800xf32, #tpu.memory_space<vmem>>, vector<1x16xf32>,
      %parallel_loop3A_174 = vector.shape_cast %parallel_loop3A_173 : vector<1x16xf32> to vector<16xf32>
      %parallel_loop3A_175 = vector.shape_cast %parallel_loop3A_169 : vector<16xf32> to vector<1x16xf32>
      tpu.vector_store %arg8[%parallel_loop3A_171, %parallel_loop3A_172], %parallel_loop3A_175 {strides = array<i32>} : memref<2x12800xf32, #tpu.memory_space<vmem>>, vector<1x16xf32>,
    } {sc.loop_unroll_factor = 8 : i64, sc.parallel_access}
    %parallel_loop3A_97 = arith.constant 0 : i32
    %parallel_loop3A_98 = arith.constant 12800 : i32
    %parallel_loop3A_99 = arith.constant 16 : i32
    scf.for %parallel_loop3A_154 = %parallel_loop3A_97 to %parallel_loop3A_98 step %parallel_loop3A_99  : i32 {
      %parallel_loop3A_155 = arith.constant 1 : i32
      %parallel_loop3A_156 = arith.index_cast %parallel_loop3A_155 : i32 to index
      %parallel_loop3A_157 = arith.index_cast %parallel_loop3A_154 : i32 to index
      %parallel_loop3A_158 = tpu.vector_load %arg6[%parallel_loop3A_156, %parallel_loop3A_157] {strides = array<i32>} : memref<2x12800xf32, #tpu.memory_space<vmem>>, vector<1x16xf32>,
      %parallel_loop3A_159 = vector.shape_cast %parallel_loop3A_158 : vector<1x16xf32> to vector<16xf32>
      %parallel_loop3A_160 = arith.index_cast %parallel_loop3A_154 : i32 to index
      %parallel_loop3A_161 = tpu.vector_load %arg5[%parallel_loop3A_160] {strides = array<i32>} : memref<12800xf32, #tpu.memory_space<vmem>>, vector<16xf32>,
      %parallel_loop3A_162 = vector.shape_cast %parallel_loop3A_161 : vector<16xf32> to vector<16xf32>
      %parallel_loop3A_163 = arith.constant 0.000000e+00 : f32
      %parallel_loop3A_164 = vector.broadcast %parallel_loop3A_163 : f32 to vector<16xf32>
      %parallel_loop3A_165 = arith.cmpf oeq, %parallel_loop3A_159, %parallel_loop3A_164 : vector<16xf32>
      %parallel_loop3A_166 = arith.addf %parallel_loop3A_159, %parallel_loop3A_162 : vector<16xf32>
      %parallel_loop3A_167 = arith.constant 0.000000e+00 : f32
      %parallel_loop3A_168 = vector.broadcast %parallel_loop3A_167 : f32 to vector<16xf32>
      %parallel_loop3A_169 = arith.select %parallel_loop3A_165, %parallel_loop3A_168, %parallel_loop3A_166 : vector<16xi1>, vector<16xf32>
      %parallel_loop3A_170 = arith.constant 1 : i32
      %parallel_loop3A_171 = arith.index_cast %parallel_loop3A_170 : i32 to index
      %parallel_loop3A_172 = arith.index_cast %parallel_loop3A_154 : i32 to index
      %parallel_loop3A_173 = tpu.vector_load %arg8[%parallel_loop3A_171, %parallel_loop3A_172] {strides = array<i32>} : memref<2x12800xf32, #tpu.memory_space<vmem>>, vector<1x16xf32>,
      %parallel_loop3A_174 = vector.shape_cast %parallel_loop3A_173 : vector<1x16xf32> to vector<16xf32>
      %parallel_loop3A_175 = vector.shape_cast %parallel_loop3A_169 : vector<16xf32> to vector<1x16xf32>
      tpu.vector_store %arg8[%parallel_loop3A_171, %parallel_loop3A_172], %parallel_loop3A_175 {strides = array<i32>} : memref<2x12800xf32, #tpu.memory_space<vmem>>, vector<1x16xf32>,
    } {sc.loop_unroll_factor = 8 : i64, sc.parallel_access}
    %dma_start3A_100 = arith.constant 124 : i32
    %dma_start3A_101 = arith.constant 0 : i32
    %dma_start3A_102 = tpu.memref_slice %arg4[%add3A, %dma_start3A_100, %dma_start3A_101] : memref<32x128x12800xf32, #tpu.memory_space<hbm>> -> memref<1x2x12800xf32, #tpu.memory_space<hbm>>
    %dma_start3A_103 = tpu.memref_squeeze %dma_start3A_102 : memref<1x2x12800xf32, #tpu.memory_space<hbm>> -> memref<2x12800xf32, #tpu.memory_space<hbm>>
    %dma_start3A_104 = arith.constant 124 : i32
    %dma_start3A_105 = arith.constant 0 : i32
    %dma_start3A_106 = tpu.memref_slice %arg4[%add3A, %dma_start3A_104, %dma_start3A_105] : memref<32x128x12800xf32, #tpu.memory_space<hbm>> -> memref<1x2x12800xf32, #tpu.memory_space<hbm>>
    %dma_start3A_107 = tpu.memref_squeeze %dma_start3A_106 : memref<1x2x12800xf32, #tpu.memory_space<hbm>> -> memref<2x12800xf32, #tpu.memory_space<hbm>>
    tpu.enqueue_dma source(%arg8 : memref<2x12800xf32, #tpu.memory_space<vmem>>) target(%dma_start3A_107 : memref<2x12800xf32, #tpu.memory_space<hbm>>) target_semaphore(%arg12 : memref<!tpu.dma_semaphore, #tpu.memory_space<semaphore_mem>>)
    %dma_wait3A_108 = arith.constant 126 : i32
    %dma_wait3A_109 = arith.constant 0 : i32
    %dma_wait3A_110 = tpu.memref_slice %arg2[%add3A, %dma_wait3A_108, %dma_wait3A_109] : memref<32x128x12800xf32, #tpu.memory_space<hbm>> -> memref<1x2x12800xf32, #tpu.memory_space<hbm>>
    %dma_wait3A_111 = tpu.memref_squeeze %dma_wait3A_110 : memref<1x2x12800xf32, #tpu.memory_space<hbm>> -> memref<2x12800xf32, #tpu.memory_space<hbm>>
    %dma_wait3A_112 = arith.constant 126 : i32
    %dma_wait3A_113 = arith.constant 0 : i32
    %dma_wait3A_114 = tpu.memref_slice %arg2[%add3A, %dma_wait3A_112, %dma_wait3A_113] : memref<32x128x12800xf32, #tpu.memory_space<hbm>> -> memref<1x2x12800xf32, #tpu.memory_space<hbm>>
    %dma_wait3A_115 = tpu.memref_squeeze %dma_wait3A_114 : memref<1x2x12800xf32, #tpu.memory_space<hbm>> -> memref<2x12800xf32, #tpu.memory_space<hbm>>
    tpu.wait_dma2 semaphore(%arg11 : memref<!tpu.dma_semaphore, #tpu.memory_space<semaphore_mem>>) src(%dma_wait3A_115 : memref<2x12800xf32, #tpu.memory_space<hbm>>) dst(%arg7 : memref<2x12800xf32, #tpu.memory_space<vmem>>)
    %dma_wait3A_116 = arith.constant 122 : i32
    %dma_wait3A_117 = arith.constant 0 : i32
    %dma_wait3A_118 = tpu.memref_slice %arg4[%add3A, %dma_wait3A_116, %dma_wait3A_117] : memref<32x128x12800xf32, #tpu.memory_space<hbm>> -> memref<1x2x12800xf32, #tpu.memory_space<hbm>>
    %dma_wait3A_119 = tpu.memref_squeeze %dma_wait3A_118 : memref<1x2x12800xf32, #tpu.memory_space<hbm>> -> memref<2x12800xf32, #tpu.memory_space<hbm>>
    %dma_wait3A_120 = arith.constant 122 : i32
    %dma_wait3A_121 = arith.constant 0 : i32
    %dma_wait3A_122 = tpu.memref_slice %arg4[%add3A, %dma_wait3A_120, %dma_wait3A_121] : memref<32x128x12800xf32, #tpu.memory_space<hbm>> -> memref<1x2x12800xf32, #tpu.memory_space<hbm>>
    %dma_wait3A_123 = tpu.memref_squeeze %dma_wait3A_122 : memref<1x2x12800xf32, #tpu.memory_space<hbm>> -> memref<2x12800xf32, #tpu.memory_space<hbm>>
    tpu.wait_dma2 semaphore(%arg13 : memref<!tpu.dma_semaphore, #tpu.memory_space<semaphore_mem>>) src(%arg9 : memref<2x12800xf32, #tpu.memory_space<vmem>>) dst(%dma_wait3A_123 : memref<2x12800xf32, #tpu.memory_space<hbm>>)
    %parallel_loop3A_124 = arith.constant 0 : i32
    %parallel_loop3A_125 = arith.constant 12800 : i32
    %parallel_loop3A_126 = arith.constant 16 : i32
    scf.for %parallel_loop3A_154 = %parallel_loop3A_124 to %parallel_loop3A_125 step %parallel_loop3A_126  : i32 {
      %parallel_loop3A_155 = arith.constant 0 : i32
      %parallel_loop3A_156 = arith.index_cast %parallel_loop3A_155 : i32 to index
      %parallel_loop3A_157 = arith.index_cast %parallel_loop3A_154 : i32 to index
      %parallel_loop3A_158 = tpu.vector_load %arg7[%parallel_loop3A_156, %parallel_loop3A_157] {strides = array<i32>} : memref<2x12800xf32, #tpu.memory_space<vmem>>, vector<1x16xf32>,
      %parallel_loop3A_159 = vector.shape_cast %parallel_loop3A_158 : vector<1x16xf32> to vector<16xf32>
      %parallel_loop3A_160 = arith.index_cast %parallel_loop3A_154 : i32 to index
      %parallel_loop3A_161 = tpu.vector_load %arg5[%parallel_loop3A_160] {strides = array<i32>} : memref<12800xf32, #tpu.memory_space<vmem>>, vector<16xf32>,
      %parallel_loop3A_162 = vector.shape_cast %parallel_loop3A_161 : vector<16xf32> to vector<16xf32>
      %parallel_loop3A_163 = arith.constant 0.000000e+00 : f32
      %parallel_loop3A_164 = vector.broadcast %parallel_loop3A_163 : f32 to vector<16xf32>
      %parallel_loop3A_165 = arith.cmpf oeq, %parallel_loop3A_159, %parallel_loop3A_164 : vector<16xf32>
      %parallel_loop3A_166 = arith.addf %parallel_loop3A_159, %parallel_loop3A_162 : vector<16xf32>
      %parallel_loop3A_167 = arith.constant 0.000000e+00 : f32
      %parallel_loop3A_168 = vector.broadcast %parallel_loop3A_167 : f32 to vector<16xf32>
      %parallel_loop3A_169 = arith.select %parallel_loop3A_165, %parallel_loop3A_168, %parallel_loop3A_166 : vector<16xi1>, vector<16xf32>
      %parallel_loop3A_170 = arith.constant 0 : i32
      %parallel_loop3A_171 = arith.index_cast %parallel_loop3A_170 : i32 to index
      %parallel_loop3A_172 = arith.index_cast %parallel_loop3A_154 : i32 to index
      %parallel_loop3A_173 = tpu.vector_load %arg9[%parallel_loop3A_171, %parallel_loop3A_172] {strides = array<i32>} : memref<2x12800xf32, #tpu.memory_space<vmem>>, vector<1x16xf32>,
      %parallel_loop3A_174 = vector.shape_cast %parallel_loop3A_173 : vector<1x16xf32> to vector<16xf32>
      %parallel_loop3A_175 = vector.shape_cast %parallel_loop3A_169 : vector<16xf32> to vector<1x16xf32>
      tpu.vector_store %arg9[%parallel_loop3A_171, %parallel_loop3A_172], %parallel_loop3A_175 {strides = array<i32>} : memref<2x12800xf32, #tpu.memory_space<vmem>>, vector<1x16xf32>,
    } {sc.loop_unroll_factor = 8 : i64, sc.parallel_access}
    %parallel_loop3A_127 = arith.constant 0 : i32
    %parallel_loop3A_128 = arith.constant 12800 : i32
    %parallel_loop3A_129 = arith.constant 16 : i32
    scf.for %parallel_loop3A_154 = %parallel_loop3A_127 to %parallel_loop3A_128 step %parallel_loop3A_129  : i32 {
      %parallel_loop3A_155 = arith.constant 1 : i32
      %parallel_loop3A_156 = arith.index_cast %parallel_loop3A_155 : i32 to index
      %parallel_loop3A_157 = arith.index_cast %parallel_loop3A_154 : i32 to index
      %parallel_loop3A_158 = tpu.vector_load %arg7[%parallel_loop3A_156, %parallel_loop3A_157] {strides = array<i32>} : memref<2x12800xf32, #tpu.memory_space<vmem>>, vector<1x16xf32>,
      %parallel_loop3A_159 = vector.shape_cast %parallel_loop3A_158 : vector<1x16xf32> to vector<16xf32>
      %parallel_loop3A_160 = arith.index_cast %parallel_loop3A_154 : i32 to index
      %parallel_loop3A_161 = tpu.vector_load %arg5[%parallel_loop3A_160] {strides = array<i32>} : memref<12800xf32, #tpu.memory_space<vmem>>, vector<16xf32>,
      %parallel_loop3A_162 = vector.shape_cast %parallel_loop3A_161 : vector<16xf32> to vector<16xf32>
      %parallel_loop3A_163 = arith.constant 0.000000e+00 : f32
      %parallel_loop3A_164 = vector.broadcast %parallel_loop3A_163 : f32 to vector<16xf32>
      %parallel_loop3A_165 = arith.cmpf oeq, %parallel_loop3A_159, %parallel_loop3A_164 : vector<16xf32>
      %parallel_loop3A_166 = arith.addf %parallel_loop3A_159, %parallel_loop3A_162 : vector<16xf32>
      %parallel_loop3A_167 = arith.constant 0.000000e+00 : f32
      %parallel_loop3A_168 = vector.broadcast %parallel_loop3A_167 : f32 to vector<16xf32>
      %parallel_loop3A_169 = arith.select %parallel_loop3A_165, %parallel_loop3A_168, %parallel_loop3A_166 : vector<16xi1>, vector<16xf32>
      %parallel_loop3A_170 = arith.constant 1 : i32
      %parallel_loop3A_171 = arith.index_cast %parallel_loop3A_170 : i32 to index
      %parallel_loop3A_172 = arith.index_cast %parallel_loop3A_154 : i32 to index
      %parallel_loop3A_173 = tpu.vector_load %arg9[%parallel_loop3A_171, %parallel_loop3A_172] {strides = array<i32>} : memref<2x12800xf32, #tpu.memory_space<vmem>>, vector<1x16xf32>,
      %parallel_loop3A_174 = vector.shape_cast %parallel_loop3A_173 : vector<1x16xf32> to vector<16xf32>
      %parallel_loop3A_175 = vector.shape_cast %parallel_loop3A_169 : vector<16xf32> to vector<1x16xf32>
      tpu.vector_store %arg9[%parallel_loop3A_171, %parallel_loop3A_172], %parallel_loop3A_175 {strides = array<i32>} : memref<2x12800xf32, #tpu.memory_space<vmem>>, vector<1x16xf32>,
    } {sc.loop_unroll_factor = 8 : i64, sc.parallel_access}
    %dma_start3A_130 = arith.constant 126 : i32
    %dma_start3A_131 = arith.constant 0 : i32
    %dma_start3A_132 = tpu.memref_slice %arg4[%add3A, %dma_start3A_130, %dma_start3A_131] : memref<32x128x12800xf32, #tpu.memory_space<hbm>> -> memref<1x2x12800xf32, #tpu.memory_space<hbm>>
    %dma_start3A_133 = tpu.memref_squeeze %dma_start3A_132 : memref<1x2x12800xf32, #tpu.memory_space<hbm>> -> memref<2x12800xf32, #tpu.memory_space<hbm>>
    %dma_start3A_134 = arith.constant 126 : i32
    %dma_start3A_135 = arith.constant 0 : i32
    %dma_start3A_136 = tpu.memref_slice %arg4[%add3A, %dma_start3A_134, %dma_start3A_135] : memref<32x128x12800xf32, #tpu.memory_space<hbm>> -> memref<1x2x12800xf32, #tpu.memory_space<hbm>>
    %dma_start3A_137 = tpu.memref_squeeze %dma_start3A_136 : memref<1x2x12800xf32, #tpu.memory_space<hbm>> -> memref<2x12800xf32, #tpu.memory_space<hbm>>
    tpu.enqueue_dma source(%arg9 : memref<2x12800xf32, #tpu.memory_space<vmem>>) target(%dma_start3A_137 : memref<2x12800xf32, #tpu.memory_space<hbm>>) target_semaphore(%arg13 : memref<!tpu.dma_semaphore, #tpu.memory_space<semaphore_mem>>)
    %dma_wait3A_138 = arith.constant 124 : i32
    %dma_wait3A_139 = arith.constant 0 : i32
    %dma_wait3A_140 = tpu.memref_slice %arg4[%add3A, %dma_wait3A_138, %dma_wait3A_139] : memref<32x128x12800xf32, #tpu.memory_space<hbm>> -> memref<1x2x12800xf32, #tpu.memory_space<hbm>>
    %dma_wait3A_141 = tpu.memref_squeeze %dma_wait3A_140 : memref<1x2x12800xf32, #tpu.memory_space<hbm>> -> memref<2x12800xf32, #tpu.memory_space<hbm>>
    %dma_wait3A_142 = arith.constant 124 : i32
    %dma_wait3A_143 = arith.constant 0 : i32
    %dma_wait3A_144 = tpu.memref_slice %arg4[%add3A, %dma_wait3A_142, %dma_wait3A_143] : memref<32x128x12800xf32, #tpu.memory_space<hbm>> -> memref<1x2x12800xf32, #tpu.memory_space<hbm>>
    %dma_wait3A_145 = tpu.memref_squeeze %dma_wait3A_144 : memref<1x2x12800xf32, #tpu.memory_space<hbm>> -> memref<2x12800xf32, #tpu.memory_space<hbm>>
    tpu.wait_dma2 semaphore(%arg12 : memref<!tpu.dma_semaphore, #tpu.memory_space<semaphore_mem>>) src(%arg8 : memref<2x12800xf32, #tpu.memory_space<vmem>>) dst(%dma_wait3A_145 : memref<2x12800xf32, #tpu.memory_space<hbm>>)
    %dma_wait3A_146 = arith.constant 126 : i32
    %dma_wait3A_147 = arith.constant 0 : i32
    %dma_wait3A_148 = tpu.memref_slice %arg4[%add3A, %dma_wait3A_146, %dma_wait3A_147] : memref<32x128x12800xf32, #tpu.memory_space<hbm>> -> memref<1x2x12800xf32, #tpu.memory_space<hbm>>
    %dma_wait3A_149 = tpu.memref_squeeze %dma_wait3A_148 : memref<1x2x12800xf32, #tpu.memory_space<hbm>> -> memref<2x12800xf32, #tpu.memory_space<hbm>>
    %dma_wait3A_150 = arith.constant 126 : i32
    %dma_wait3A_151 = arith.constant 0 : i32
    %dma_wait3A_152 = tpu.memref_slice %arg4[%add3A, %dma_wait3A_150, %dma_wait3A_151] : memref<32x128x12800xf32, #tpu.memory_space<hbm>> -> memref<1x2x12800xf32, #tpu.memory_space<hbm>>
    %dma_wait3A_153 = tpu.memref_squeeze %dma_wait3A_152 : memref<1x2x12800xf32, #tpu.memory_space<hbm>> -> memref<2x12800xf32, #tpu.memory_space<hbm>>
    tpu.wait_dma2 semaphore(%arg13 : memref<!tpu.dma_semaphore, #tpu.memory_space<semaphore_mem>>) src(%arg9 : memref<2x12800xf32, #tpu.memory_space<vmem>>) dst(%dma_wait3A_153 : memref<2x12800xf32, #tpu.memory_space<hbm>>)
    return
  }
}

</mosaic_0001>

<sc_bundles>
// kernel: kernel.3.cloned.1.call-start
scs
__scs_entry_jumppad:
0x0: {  	(pc) =	sbr.rel $0x88, $3  }
0x1: {  	(tag) =	ssettag $0x0;
	lr =	simm.s32 $0x1  }
0x2: {  	[smem:$0x3F9F] =	sst lr;
	_ =	strace $0xD0000000  }
0x3: {  	_ = 	snop  }
0x4: {  	_ = 	snop  }
0x5: {  	_ = 	snop  }
0x6: {  	_ = 	snop  }
0x7: {  	_ = 	snop  }
__scs_overlays_trampoline_lowered:
0x8: {  	[smem:$0x3FAE] =	sst s0  }
0x9: {  	[smem:$0x3FAF] =	sst s1  }
0xa: {  	[smem:$0x3FB0] =	sst s2  }
0xb: {  	[smem:$0x3FB1] =	sst s3  }
0xc: {  	[smem:$0x3FB2] =	sst s4  }
0xd: {  	[smem:$0x3FB3] =	sst s5  }
0xe: {  	[smem:$0x3FB4] =	sst s6  }
0xf: {  	[smem:$0x3FB5] =	sst s7  }
0x10: {  	[smem:$0x3FB6] =	sst s8  }
0x11: {  	[smem:$0x3FB7] =	sst s9;
	s0 =	simm.s32 @!p0 $0x0  }
0x12: {  	s1 =	sld [smem:$0x3F9D];
	s0 =	simm.s32 @p0 $0x1  }
0x13: {  	[smem:$0x3FB8] =	sst s0;
	s0 =	simm.s32 @!p1 $0x0  }
0x14: {  	s2 =	sld [smem:$0x3F9C];
	s0 =	simm.s32 @p1 $0x1  }
0x15: {  	[smem:$0x3FB9] =	sst s0;
	s0 =	simm.s32 @!p2 $0x0  }
0x16: {  	s3 =	sld [smem:$0x3FDB];
	s0 =	simm.s32 @p2 $0x1  }
0x17: {  	s4 =	simm.s32 $0x1BF5;
	[smem:$0x3FBB] =	sst s0  }
0x18: {  	s0 =	sld [smem:$0x3F9E];
	_ =	swait.ge [sflag:s4], $0x0  }
0x19: {  	s7 =	sld [smem:$0x3F9F]  }
0x1a: {  	s8 =	sadd.s32 $0xFFFFE003, lr  }
0x1b: {  	s9 =	sadd.s32 $0xFFFFFEF7, lr;
	s5 =	simm.s32 $0xFFFFFFFF;
	p2 =	slt.u32 s8, $0xFFFFF086  }
0x1c: {  	p1 =	slt.u32 s9, $0xF7A;
	s5 =	simm.s32 @!p2 $0x0  }
0x1d: {  	s5 =	simm.s32 @p1 $0x1;
	p0 =	seq.s32 s7, s2  }
0x1e: {  	s7 =	smul.u32 @!p0 $0xF7A, s2;
	p2 =	seq.s32 @!p0 s5, $0x0  }
0x1f: {  	s9 =	smul.u32 $0xF7A, s1;
	s8 =	simm.s32 @!p0 $0x1BF5;
	p2 =	por !p2, p0  }
0x20: {  	[sflag:s8] =	ssyncset.s32 @!p0 $0xFFFFF086;
	s6 =	sadd.s32 @!p0 s3, s7;
	s7 =	simm.s32 @!p0 $0x108  }
0x21: {  	s3 =	sadd.s32 s3, s9;
	s6 =	sadd.s32 @!p0 $0x88, s6;
	s7 =	simm.s32 @p2 $0x1082  }
0x22: {  	[simem:s7], [sflag:s8] =	dma.local @!p0 [hbm:s6], $0xF7A  }
0x23: {  	s9 =	sor.u32 $0xD0000000, s2;
	s6 =	simm.s32 $0x108;
	_ =	swait.ge @!p0 [sflag:s8], $0x0  }
0x24: {  	s3 =	sadd.s32 $0x88, s3;
	s6 =	simm.s32 @!p1 $0x1082;
	[sflag:s4] =	ssyncset.s32 $0xFFFFF086  }
0x25: {  	[simem:s6], [sflag:s4] =	dma.local [hbm:s3], $0xF7A  }
0x26: {  	[smem:$0x3F9F] =	sst s1;
	(tag) =	ssettag s2;
	_ =	strace s9  }
0x27: {  	s1 =	sld [smem:$0x3FAF]  }
0x28: {  	s2 =	sld [smem:$0x3FB0]  }
0x29: {  	s4 =	sld [smem:$0x3FB2]  }
0x2a: {  	p0 =	seq.s32 s5, $0x0;
	s5 =	sld [smem:$0x3FB3]  }
0x2b: {  	s6 =	sld [smem:$0x3FB4]  }
0x2c: {  	s7 =	sld [smem:$0x3FB5]  }
0x2d: {  	s3 =	simm.s32 $0x108;
	s8 =	sld [smem:$0x3FB6]  }
0x2e: {  	s3 =	simm.s32 @!p0 $0x1082;
	s9 =	sld [smem:$0x3FB7]  }
0x2f: {  	lr =	sadd.s32 s0, s3;
	s0 =	sld [smem:$0x3FAE]  }
0x30: {  	s3 =	sld [smem:$0x3FB1]  }
0x31: {  	[smem:$0x3FBA] =	sst s10  }
0x32: {  	s10 =	sld [smem:$0x3FB8];
	_ =	sdelay $0x3  }
0x33: {  	p0 =	seq.s32 s10, $0x1;
	s10 =	sld [smem:$0x3FBA];
	_ =	sdelay $0x3  }
0x34: {  	[smem:$0x3FBA] =	sst s10  }
0x35: {  	s10 =	sld [smem:$0x3FB9];
	_ =	sdelay $0x3  }
0x36: {  	p1 =	seq.s32 s10, $0x1;
	s10 =	sld [smem:$0x3FBA];
	_ =	sdelay $0x3  }
0x37: {  	[smem:$0x3FBA] =	sst s10  }
0x38: {  	s10 =	sld [smem:$0x3FBB]  }
0x39: {  	_ = 	snop;
	(pc) =	sbr.ind lr, $3  }
0x3a: {  	_ = 	snop  }
0x3b: {  	_ = 	snop  }
0x3c: {  	p2 =	seq.s32 s10, $0x1;
	s10 =	sld [smem:$0x3FBA]  }
0x3d: {  	_ =	shalt  }
0x3e: {  	_ =	shalt  }
0x3f: {  	_ =	shalt  }
0x40: {  	_ =	shalt  }
0x41: {  	_ =	shalt  }
0x42: {  	_ =	shalt  }
0x43: {  	_ =	shalt  }
0x44: {  	_ =	shalt  }
0x45: {  	_ =	shalt  }
0x46: {  	_ =	shalt  }
0x47: {  	_ =	shalt  }
0x48: {  	_ =	shalt  }
0x49: {  	_ =	shalt  }
0x4a: {  	_ =	shalt  }
0x4b: {  	_ =	shalt  }
0x4c: {  	_ =	shalt  }
0x4d: {  	_ =	shalt  }
0x4e: {  	_ =	shalt  }
0x4f: {  	_ =	shalt  }
0x50: {  	_ =	shalt  }
0x51: {  	_ =	shalt  }
0x52: {  	_ =	shalt  }
0x53: {  	_ =	shalt  }
0x54: {  	_ =	shalt  }
0x55: {  	_ =	shalt  }
0x56: {  	_ =	shalt  }
0x57: {  	_ =	shalt  }
0x58: {  	_ =	shalt  }
0x59: {  	_ =	shalt  }
0x5a: {  	_ =	shalt  }
0x5b: {  	_ =	shalt  }
0x5c: {  	_ =	shalt  }
0x5d: {  	_ =	shalt  }
0x5e: {  	_ =	shalt  }
0x5f: {  	_ =	shalt  }
0x60: {  	_ =	shalt  }
0x61: {  	_ =	shalt  }
0x62: {  	_ =	shalt  }
0x63: {  	_ =	shalt  }
0x64: {  	_ =	shalt  }
0x65: {  	_ =	shalt  }
0x66: {  	_ =	shalt  }
0x67: {  	_ =	shalt  }
0x68: {  	_ =	shalt  }
0x69: {  	_ =	shalt  }
0x6a: {  	_ =	shalt  }
0x6b: {  	_ =	shalt  }
0x6c: {  	_ =	shalt  }
0x6d: {  	_ =	shalt  }
0x6e: {  	_ =	shalt  }
0x6f: {  	_ =	shalt  }
0x70: {  	_ =	shalt  }
0x71: {  	_ =	shalt  }
0x72: {  	_ =	shalt  }
0x73: {  	_ =	shalt  }
0x74: {  	_ =	shalt  }
0x75: {  	_ =	shalt  }
0x76: {  	_ =	shalt  }
0x77: {  	_ =	shalt  }
0x78: {  	_ =	shalt  }
0x79: {  	_ =	shalt  }
0x7a: {  	_ =	shalt  }
0x7b: {  	_ =	shalt  }
0x7c: {  	_ =	shalt  }
0x7d: {  	_ =	shalt  }
0x7e: {  	_ =	shalt  }
0x7f: {  	_ =	shalt  }
0x80: {  	_ =	shalt  }
0x81: {  	_ =	shalt  }
0x82: {  	_ =	shalt  }
0x83: {  	_ =	shalt  }
0x84: {  	_ =	shalt  }
0x85: {  	_ =	shalt  }
0x86: {  	_ =	shalt  }
0x87: {  	_ =	shalt  }
.Lfunc_end0:
.L_simem_size_0:
called_computation.1_lowered:
.L_overlay_start_0:
0x88: {  	s2 =	sld [smem:$0x3FD9]  }
0x89: {  	s3 =	sld [smem:$0x3FFE];
	_ =	sdelay $0x1  }
0x8a: {  	s1 =	srdreg.scid  }
0x8b: {  	s0 =	sand.u32 $0x1, s1  }
0x8c: {  	s17 =	sshll.u32 s0, $0xA;
	s2 =	sadd.s32 s3, s2  }
0x8d: {  	s2 =	sadd.s32 s2, s17  }
0x8e: {  	[smem:$0x3FC6] =	sst s2  }
0x8f: {  	_ = 	snop  }
0x90: {  	s2 =	sld [smem:$0x3FD0];
	(tm) =	ssettm $0x1  }
0x91: {  	s18 =	sld [smem:$0x3FFB];
	_ =	sdelay $0x3  }
0x92: {  	_ =	strace s18  }
0x93: {  	s3 =	sld [smem:$0x3FFC];
	_ =	sdelay $0x3  }
0x94: {  	_ =	strace s3  }
0x95: {  	s3 =	sld [smem:$0x3FFD];
	_ =	sdelay $0x3  }
0x96: {  	_ =	strace s3  }
0x97: {  	_ =	strace $0x8FFFFFFF  }
0x98: {  	s19 =	sld [smem:$0x3FDB];
	_ =	sdelay $0x1  }
0x99: {  	s4 =	simm.s32 $_scs_section_size  }
0x9a: {  	s5 =	simm.s32 $_size__tile_overlayer_lowered;
	s6 =	simm.s32 $_tile_overlayer_lowered  }
0x9b: {  	s22 =	simm.s32 $0x1BFF;
	s21 =	sshll.u32 s6, $0x1;
	s3 =	sadd.s32 s4, s19  }
0x9c: {  	s7 =	simm.s32 $0x0;
	s20 =	sshll.u32 s5, $0x1;
	s5 =	sadd.s32 s21, s3  }
0x9d: {  	[timem:s7], [sflag:s22] =	dma.local [hbm:s5], s20  }
0x9e: {  	_ =	swait.ge [sflag:s22], s20  }
0x9f: {  	s4 =	ssub.s32 $0x0, s20;
	[sflag:s22] =	ssyncset.done $0x0  }
0xa0: {  	[sflag:s22] =	ssyncadd.s32 s4;
	_ =	sdelay $0x1  }
0xa1: {  	s23 =	simm.s32 $0x1B8B  }
0xa2: {  	_ =	swait.ge [sflag:s23], $0x1  }
0xa3: {  	[sflag:s23] =	ssyncset.done $0x0  }
0xa4: {  	s25 =	simm.s32 $0x1B8E;
	s24 =	sld [smem:$0x3FFE];
	[sflag:s23] =	ssyncadd.s32 $0xFFFFFFFF  }
0xa5: {  	s26 =	simm.s32 $execute0_lowered;
	[smem:$0x3FD2] =	sst s25  }
0xa6: {  	s5 =	sshll.u32 s26, $0x1;
	_ =	strace $0x80000049;
	[dreg:$0x1] =	wrdreg $0xFFFFFFFF  }
0xa7: {  	s28 =	simm.s32 $_size_execute0_lowered;
	s3 =	sadd.s32 s3, s5;
	[dreg:$0x0] =	wrdreg $0x0  }
0xa8: {  	s5 =	sshll.u32 s28, $0x1;
	[dreg:$0x2] =	wrdreg s3  }
0xa9: {  	[dreg:$0x3] =	wrdreg s5  }
0xaa: {  	[dreg:$0x4] =	wrdreg $0xC0  }
0xab: {  	_ =	task [dreg:s7], $0x5FFFF  }
0xac: {  	[dreg:$0x1] =	wrdreg $0xFFFFFFFF  }
0xad: {  	[dreg:$0x0] =	wrdreg $0x60  }
0xae: {  	[dreg:$0x2] =	wrdreg s2  }
0xaf: {  	[dreg:$0x3] =	wrdreg s24  }
0xb0: {  	[dreg:$0x4] =	wrdreg $0x9  }
0xb1: {  	_ =	task.clear_ibuf [dreg:s7], $0x5FFFF;
	_ =	strace $0x90000049  }
0xb2: {  	s29 =	simm.s32 $0x9;
	_ =	strace $0x8000004B  }
0xb3: {  	_ =	swait.ge [sflag:s29], $0x1  }
0xb4: {  	[sflag:s29] =	ssyncadd.s32 $0xFFFFFFFF  }
0xb5: {  	_ =	strace $0x9000004B  }
0xb6: {  	_ =	sfence  }
0xb7: {  	s30 =	sld [smem:$0x0];
	_ =	sdelay $0x2  }
0xb8: {  	s31 =	sshll.u32 s1, $0xD;
	s1 =	sshrl.u32 s1, $0x2  }
0xb9: {  	s3 =	sand.u32 $0x4000, s31;
	s1 =	sadd.s32 s1, s30  }
0xba: {  	s0 =	sor.u32 s3, s0;
	s1 =	sshll.u32 s1, $0x11  }
0xbb: {  	s0 =	sor.u32 s1, s0  }
0xbc: {  	s0 =	sadd.s32 $0x8F2B, s0  }
0xbd: {  	[sflag:s0] =	ssyncadd.remote.s32 $0x1  }
0xbe: {  	_ =	sfence.sel $0xFFFF  }
0xbf: {  	[dreg:$0x0] =	wrdreg $0xFFFFFFFF;
	(pc) =	sbr.abs _section_cstart, $3  }
0xc0: {  	[dreg:$0x1] =	wrdreg $0xFFFFFFFF  }
0xc1: {  	_ =	task.clear_ibuf [dreg:s7], $0x2FFFF;
	_ =	strace $0x9FFFFFFF  }
0xc2: {  	(tm) =	ssettm $0x7FFFFFFF  }
0xc3: {  	_ =	shalt  }
tec
execute0_lowered:
.L_overlay_start_1:
0x0: {  	(tag) =	ssettag $0x1  }
0x1: {  	s2 =	rddreg [dreg:$0x0]  }
0x2: {  	s0 =	srdreg.scid;
	s3 =	stileid.u32  }
0x3: {  	s1 =	rddreg [dreg:$0x1];
	s4 =	simm.s32 $0x0;
	s16 =	simm.s32 $0x100  }
0x4: {  	s17 =	simm.s32 $0x400;
	s18 =	simm.s32 $0x3200;
	s19 =	simm.s32 $0x9600  }
0x5: {  	s20 =	simm.s32 $0x5;
	s21 =	simm.s32 $0x1;
	s22 =	simm.s32 $0xFA00  }
0x6: {  	s23 =	simm.s32 $0x2;
	s24 =	simm.s32 $0x15E00;
	s28 =	simm.s32 $0x0  }
0x7: {  	s0 =	sand.u32 $0x1, s0;
	s3 =	sshll.u32 s3, $0x1;
	[smem:$0x7FF] =	sst s4  }
0x8: {  	s25 =	sadd.s32 $0x640A00, s1;
	s6 =	sadd.s32 $0xA00, s1;
	s3 =	sor.u32 s0, s3  }
0x9: {  	_ =	strace $0x8000004A;
	s0 =	ssub.s32 $0x2, s0;
	s4 =	smul.u32 $0x190000, s3  }
0xa: {  	[dreg:$0x3] =	wrdreg s25;
	s25 =	simm.s32 $0x3;
	s26 =	sshrl.u32 s0, $0x1  }
0xb: {  	s0 =	ssub.s32 s0, s26;
	s26 =	simm.s32 $0x4;
	s5 =	sshrl.u32 s4, $0x3  }
0xc: {  	s15 =	smax.u32 s0, $0x1;
	s29 =	sor.u32 $0x20, s5;
	s7 =	sadd.s32 s2, s5  }
0xd: {  	s9 =	sadd.s32 s6, s5;
	s30 =	sadd.s32 s2, s29;
	s31 =	sadd.s32 $0x40, s7  }
0xe: {  	s11 =	sadd.s32 s6, s29;
	s12 =	sadd.s32 $0x60, s7;
	[dreg:$0x4] =	wrdreg s30  }
0xf: {  	s13 =	sadd.s32 $0x2EE40, s9;
	s14 =	sadd.s32 $0x2EE60, s9;
	[dreg:$0x5] =	wrdreg s31  }
.LBB2_1:
0x10: {  	[tilespmem:s18], [sflag:$0x1] =	stream.strided.gather [hbm4b:s7+s16], $0x6400, s17, s16, $0x38;
	[tilespmem:$0x1C200] =	vst v63  }
0x11: {  	s0 =	rddreg [dreg:$0x4]  }
0x12: {  	[tilespmem:s19], [sflag:$0x2] =	stream.strided.gather [hbm4b:s0+s16], $0x6400, s17, s16, $0x38;
	[tilespmem:$0x1C200] =	vst v63  }
0x13: {  	s10 =	simm.s32 $0x0;
	s1 =	rddreg [dreg:$0x3]  }
0x14: {  	[tilespmem:s10], [sflag:$0x5] =	stream.linear.gather [hbm4b:s1+s10], $0x3200, $0x38;
	[tilespmem:$0x1C200] =	vst v63  }
0x15: {  	_ =	swait.ge [sflag:s20], $0x3200  }
0x16: {  	[sflag:s20] =	ssyncset.done $0x0  }
0x17: {  	[sflag:s20] =	ssyncadd.s32 $0xFFFFCE00  }
0x18: {  	_ =	swait.ge [sflag:s21], $0x6400  }
0x19: {  	[sflag:s21] =	ssyncset.done $0x0  }
0x1a: {  	s3 =	simm.s32 $0x3240;
	[sflag:s21] =	ssyncadd.s32 $0xFFFF9C00  }
0x1b: {  	s29 =	simm.s32 $0x40;
	v1 =	vld [tilespmem:s3+$0x30]  }
0x1c: {  	v2 =	vld [tilespmem:s29+$0x30]  }
0x1d: {  	v0 =	vld [tilespmem:s29+$0xFFFFFFC0]  }
0x1e: {  	v3 =	vld [tilespmem:s3+$0xFFFFFFD0]  }
0x1f: {  	v4 =	vld [tilespmem:s29+$0xFFFFFFD0]  }
0x20: {  	v5 =	vld [tilespmem:s3+$0xFFFFFFE0]  }
0x21: {  	v6 =	vld [tilespmem:s29+$0xFFFFFFE0]  }
0x22: {  	v7 =	vld [tilespmem:s3+$0xFFFFFFF0]  }
0x23: {  	v8 =	vld [tilespmem:s29+$0xFFFFFFF0]  }
0x24: {  	v9 =	vld [tilespmem:s3+$0x0]  }
0x25: {  	v10 =	vld [tilespmem:s29+$0x0];
	v2 =	vadd.f32 v2, v1  }
0x26: {  	vm0 =	veq.f32 v1, $0.0e+00;
	v4 =	vadd.f32 v4, v3;
	v1 =	vld [tilespmem:s3+$0x10]  }
0x27: {  	s31 =	simm.s32 $0xFA40;
	vm1 =	veq.f32 v3, $0.0e+00;
	v6 =	vadd.f32 v6, v5;
	v3 =	vld [tilespmem:s29+$0x10];
	v2 =	vsel vm0, $0x0, v2  }
0x28: {  	v8 =	vadd.f32 v8, v7;
	vm0 =	veq.f32 v5, $0.0e+00;
	v4 =	vsel vm1, $0x0, v4;
	[tilespmem:s31+$0x30] =	vst v2;
	v2 =	vld [tilespmem:s3+$0x20]  }
0x29: {  	s30 =	simm.s32 $0xFAF0;
	s5 =	simm.s32 $0x40;
	vm1 =	veq.f32 v7, $0.0e+00;
	v5 =	vld [tilespmem:s29+$0x20];
	[tilespmem:s31+$0xFFFFFFD0] =	vst v4;
	v4 =	vsel vm0, $0x0, v6  }
0x2a: {  	s0 =	simm.s32 $0x0;
	s1 =	simm.s32 $0x32F0;
	vm0 =	veq.f32 v9, $0.0e+00;
	v7 =	vsel vm1, $0x0, v8;
	v6 =	vadd.f32 v10, v9;
	[tilespmem:s31+$0xFFFFFFE0] =	vst v4;
	v4 =	vld [tilespmem:s3+$0xFFFFFFC0];
	s3 =	simm.s32 $0x3340  }
.LBB2_2:
0x2b: {  	v8 =	vld [tilespmem:s3+$0x30];
	[tilespmem:s31+$0xFFFFFFF0] =	vst v7;
	vm1 =	veq.f32 v1, $0.0e+00;
	s5 =	sadd.s32 $0x80, s5  }
0x2c: {  	s0 =	sadd.s32 $0x80, s0;
	v7 =	vld [tilespmem:s5+$0x30];
	v6 =	vsel vm0, $0x0, v6;
	v1 =	vadd.f32 v3, v1  }
0x2d: {  	p0 =	slt.u32 s0, $0x3180;
	v3 =	vld [tilespmem:s5+$0xFFFFFFC0];
	[tilespmem:s31+$0x0] =	vst v6;
	vm0 =	veq.f32 v2, $0.0e+00  }
0x2e: {  	v6 =	vld [tilespmem:s3+$0xFFFFFFD0];
	v1 =	vsel vm1, $0x0, v1;
	v2 =	vadd.f32 v5, v2  }
0x2f: {  	v5 =	vld [tilespmem:s5+$0xFFFFFFD0];
	vm1 =	veq.f32 v4, $0.0e+00;
	v10 =	vadd.f32 v0, v4;
	[tilespmem:s31+$0x10] =	vst v1  }
0x30: {  	v1 =	vld [tilespmem:s3+$0xFFFFFFE0];
	v2 =	vsel vm0, $0x0, v2  }
0x31: {  	v4 =	vld [tilespmem:s5+$0xFFFFFFE0];
	v7 =	vadd.f32 v7, v8;
	v9 =	vsel vm1, $0x0, v10;
	[tilespmem:s31+$0x20] =	vst v2  }
0x32: {  	vm0 =	veq.f32 v8, $0.0e+00;
	v2 =	vld [tilespmem:s3+$0xFFFFFFF0];
	[tilespmem:s31+$0xFFFFFFC0] =	vst v9;
	v0 =	vmov v3  }
0x33: {  	s31 =	sadd.s32 $0x100, s31;
	vm1 =	veq.f32 v6, $0.0e+00;
	v8 =	vld [tilespmem:s5+$0xFFFFFFF0];
	v3 =	vsel vm0, $0x0, v7  }
0x34: {  	v5 =	vadd.f32 v5, v6;
	v6 =	vld [tilespmem:s3+$0x0];
	[tilespmem:s31+$0x30] =	vst v3  }
0x35: {  	vm0 =	veq.f32 v1, $0.0e+00;
	v9 =	vld [tilespmem:s5+$0x0]  }
.Ltmp0:
0x36: {  	v3 =	vsel vm1, $0x0, v5;
	v4 =	vadd.f32 v4, v1;
	v1 =	vld [tilespmem:s3+$0x10];
	(pc) =	sbr.rel @p0 .LBB2_2-.Ltmp0, $4  }
0x37: {  	[tilespmem:s31+$0xFFFFFFD0] =	vst v3;
	vm1 =	veq.f32 v2, $0.0e+00;
	v3 =	vld [tilespmem:s5+$0x10]  }
0x38: {  	v4 =	vsel vm0, $0x0, v4;
	v7 =	vadd.f32 v8, v2;
	v2 =	vld [tilespmem:s3+$0x20]  }
0x39: {  	[tilespmem:s31+$0xFFFFFFE0] =	vst v4;
	vm0 =	veq.f32 v6, $0.0e+00;
	v5 =	vld [tilespmem:s5+$0x20]  }
0x3a: {  	v4 =	vld [tilespmem:s3+$0xFFFFFFC0];
	v7 =	vsel vm1, $0x0, v7;
	v6 =	vadd.f32 v9, v6;
	s3 =	sadd.s32 $0x100, s3  }
0x3b: {  	_ =	sdelay $0x1  }
0x3c: {  	v3 =	vadd.f32 v3, v1  }
0x3d: {  	[tilespmem:s31+$0xFFFFFFF0] =	vst v7;
	vm1 =	veq.f32 v1, $0.0e+00;
	v1 =	vsel vm0, $0x0, v6;
	v5 =	vadd.f32 v5, v2  }
0x3e: {  	[tilespmem:s31+$0x0] =	vst v1;
	vm0 =	veq.f32 v2, $0.0e+00;
	v1 =	vsel vm1, $0x0, v3;
	v0 =	vadd.f32 v0, v4  }
0x3f: {  	vm1 =	veq.f32 v4, $0.0e+00;
	[tilespmem:s31+$0x10] =	vst v1;
	v1 =	vsel vm0, $0x0, v5  }
0x40: {  	v0 =	vsel vm1, $0x0, v0;
	[tilespmem:s31+$0x20] =	vst v1  }
0x41: {  	[tilespmem:s31+$0xFFFFFFC0] =	vst v0  }
0x42: {  	v1 =	vld [tilespmem:s1+$0x0]  }
0x43: {  	v2 =	vld [tilespmem:s29+$0x30]  }
0x44: {  	v0 =	vld [tilespmem:s29+$0xFFFFFFC0]  }
0x45: {  	v3 =	vld [tilespmem:s1+$0xFFFFFFA0]  }
0x46: {  	v4 =	vld [tilespmem:s29+$0xFFFFFFD0]  }
0x47: {  	v5 =	vld [tilespmem:s1+$0xFFFFFFB0]  }
0x48: {  	v6 =	vld [tilespmem:s29+$0xFFFFFFE0]  }
0x49: {  	v7 =	vld [tilespmem:s1+$0xFFFFFFC0]  }
0x4a: {  	v8 =	vld [tilespmem:s29+$0xFFFFFFF0]  }
0x4b: {  	v9 =	vld [tilespmem:s1+$0xFFFFFFD0]  }
0x4c: {  	v10 =	vld [tilespmem:s29+$0x0];
	v2 =	vadd.f32 v2, v1  }
0x4d: {  	vm0 =	veq.f32 v1, $0.0e+00;
	v4 =	vadd.f32 v4, v3;
	v1 =	vld [tilespmem:s1+$0xFFFFFFE0]  }
0x4e: {  	vm1 =	veq.f32 v3, $0.0e+00;
	v6 =	vadd.f32 v6, v5;
	v3 =	vld [tilespmem:s29+$0x10];
	v2 =	vsel vm0, $0x0, v2  }
0x4f: {  	v8 =	vadd.f32 v8, v7;
	vm0 =	veq.f32 v5, $0.0e+00;
	v4 =	vsel vm1, $0x0, v4;
	[tilespmem:s30+$0x0] =	vst v2;
	v2 =	vld [tilespmem:s1+$0xFFFFFFF0]  }
0x50: {  	vm1 =	veq.f32 v7, $0.0e+00;
	v5 =	vld [tilespmem:s29+$0x20];
	[tilespmem:s30+$0xFFFFFFA0] =	vst v4;
	v4 =	vsel vm0, $0x0, v6  }
0x51: {  	s0 =	simm.s32 $0x0;
	vm0 =	veq.f32 v9, $0.0e+00;
	v7 =	vsel vm1, $0x0, v8;
	v6 =	vadd.f32 v10, v9;
	[tilespmem:s30+$0xFFFFFFB0] =	vst v4;
	v4 =	vld [tilespmem:s1+$0xFFFFFF90];
	s1 =	simm.s32 $0x33F0  }
.LBB2_4:
0x52: {  	v8 =	vld [tilespmem:s1+$0x0];
	[tilespmem:s30+$0xFFFFFFC0] =	vst v7;
	vm1 =	veq.f32 v1, $0.0e+00;
	s29 =	sadd.s32 $0x80, s29  }
0x53: {  	s0 =	sadd.s32 $0x80, s0;
	v7 =	vld [tilespmem:s29+$0x30];
	v6 =	vsel vm0, $0x0, v6;
	v1 =	vadd.f32 v3, v1  }
0x54: {  	p0 =	slt.u32 s0, $0x3180;
	v3 =	vld [tilespmem:s29+$0xFFFFFFC0];
	[tilespmem:s30+$0xFFFFFFD0] =	vst v6;
	vm0 =	veq.f32 v2, $0.0e+00  }
0x55: {  	v6 =	vld [tilespmem:s1+$0xFFFFFFA0];
	v1 =	vsel vm1, $0x0, v1;
	v2 =	vadd.f32 v5, v2  }
0x56: {  	v5 =	vld [tilespmem:s29+$0xFFFFFFD0];
	vm1 =	veq.f32 v4, $0.0e+00;
	v10 =	vadd.f32 v0, v4;
	[tilespmem:s30+$0xFFFFFFE0] =	vst v1  }
0x57: {  	v1 =	vld [tilespmem:s1+$0xFFFFFFB0];
	v2 =	vsel vm0, $0x0, v2  }
0x58: {  	v4 =	vld [tilespmem:s29+$0xFFFFFFE0];
	v7 =	vadd.f32 v7, v8;
	v9 =	vsel vm1, $0x0, v10;
	[tilespmem:s30+$0xFFFFFFF0] =	vst v2  }
0x59: {  	vm0 =	veq.f32 v8, $0.0e+00;
	v2 =	vld [tilespmem:s1+$0xFFFFFFC0];
	[tilespmem:s30+$0xFFFFFF90] =	vst v9;
	v0 =	vmov v3  }
0x5a: {  	s30 =	sadd.s32 $0x100, s30;
	vm1 =	veq.f32 v6, $0.0e+00;
	v8 =	vld [tilespmem:s29+$0xFFFFFFF0];
	v3 =	vsel vm0, $0x0, v7  }
0x5b: {  	v5 =	vadd.f32 v5, v6;
	v6 =	vld [tilespmem:s1+$0xFFFFFFD0];
	[tilespmem:s30+$0x0] =	vst v3  }
0x5c: {  	vm0 =	veq.f32 v1, $0.0e+00;
	v9 =	vld [tilespmem:s29+$0x0]  }
.Ltmp1:
0x5d: {  	v3 =	vsel vm1, $0x0, v5;
	v4 =	vadd.f32 v4, v1;
	v1 =	vld [tilespmem:s1+$0xFFFFFFE0];
	(pc) =	sbr.rel @p0 .LBB2_4-.Ltmp1, $4  }
0x5e: {  	[tilespmem:s30+$0xFFFFFFA0] =	vst v3;
	vm1 =	veq.f32 v2, $0.0e+00;
	v3 =	vld [tilespmem:s29+$0x10]  }
0x5f: {  	v4 =	vsel vm0, $0x0, v4;
	v7 =	vadd.f32 v8, v2;
	v2 =	vld [tilespmem:s1+$0xFFFFFFF0]  }
0x60: {  	[tilespmem:s30+$0xFFFFFFB0] =	vst v4;
	vm0 =	veq.f32 v6, $0.0e+00;
	v5 =	vld [tilespmem:s29+$0x20]  }
0x61: {  	v4 =	vld [tilespmem:s1+$0xFFFFFF90];
	v7 =	vsel vm1, $0x0, v7;
	v6 =	vadd.f32 v9, v6;
	s1 =	sadd.s32 $0x100, s1  }
0x62: {  	_ =	sdelay $0x1  }
0x63: {  	v3 =	vadd.f32 v3, v1  }
0x64: {  	[tilespmem:s30+$0xFFFFFFC0] =	vst v7;
	vm1 =	veq.f32 v1, $0.0e+00;
	v1 =	vsel vm0, $0x0, v6;
	v5 =	vadd.f32 v5, v2  }
0x65: {  	[tilespmem:s30+$0xFFFFFFD0] =	vst v1;
	vm0 =	veq.f32 v2, $0.0e+00;
	v1 =	vsel vm1, $0x0, v3;
	v0 =	vadd.f32 v0, v4  }
0x66: {  	vm1 =	veq.f32 v4, $0.0e+00;
	[tilespmem:s30+$0xFFFFFFE0] =	vst v1;
	v1 =	vsel vm0, $0x0, v5  }
0x67: {  	v0 =	vsel vm1, $0x0, v0;
	[tilespmem:s30+$0xFFFFFFF0] =	vst v1  }
0x68: {  	[tilespmem:s30+$0xFFFFFF90] =	vst v0  }
0x69: {  	[hbm4b:s9+s16] =	stream.strided.scatter [tilespmem:s22], [sflag:$0x3], $0x6400, s17, s16, $0x38;
	[tilespmem:$0x1C200] =	vst v63  }
0x6a: {  	s0 =	rddreg [dreg:$0x5]  }
0x6b: {  	[tilespmem:s18], [sflag:$0x1] =	stream.strided.gather [hbm4b:s0+s16], $0x6400, s17, s16, $0x38;
	[tilespmem:$0x1C200] =	vst v63  }
0x6c: {  	_ =	swait.ge [sflag:s23], $0x6400  }
0x6d: {  	[sflag:s23] =	ssyncset.done $0x0  }
0x6e: {  	s3 =	simm.s32 $0x9640;
	[sflag:s23] =	ssyncadd.s32 $0xFFFF9C00  }
0x6f: {  	s29 =	simm.s32 $0x40;
	v1 =	vld [tilespmem:s3+$0x30]  }
0x70: {  	v2 =	vld [tilespmem:s29+$0x30]  }
0x71: {  	v0 =	vld [tilespmem:s29+$0xFFFFFFC0]  }
0x72: {  	v3 =	vld [tilespmem:s3+$0xFFFFFFD0]  }
0x73: {  	v4 =	vld [tilespmem:s29+$0xFFFFFFD0]  }
0x74: {  	v5 =	vld [tilespmem:s3+$0xFFFFFFE0]  }
0x75: {  	v6 =	vld [tilespmem:s29+$0xFFFFFFE0]  }
0x76: {  	v7 =	vld [tilespmem:s3+$0xFFFFFFF0]  }
0x77: {  	v8 =	vld [tilespmem:s29+$0xFFFFFFF0]  }
0x78: {  	v9 =	vld [tilespmem:s3+$0x0]  }
0x79: {  	v10 =	vld [tilespmem:s29+$0x0];
	v2 =	vadd.f32 v2, v1  }
0x7a: {  	vm0 =	veq.f32 v1, $0.0e+00;
	v4 =	vadd.f32 v4, v3;
	v1 =	vld [tilespmem:s3+$0x10]  }
0x7b: {  	s31 =	simm.s32 $0x15E40;
	vm1 =	veq.f32 v3, $0.0e+00;
	v6 =	vadd.f32 v6, v5;
	v3 =	vld [tilespmem:s29+$0x10];
	v2 =	vsel vm0, $0x0, v2  }
0x7c: {  	v8 =	vadd.f32 v8, v7;
	vm0 =	veq.f32 v5, $0.0e+00;
	v4 =	vsel vm1, $0x0, v4;
	[tilespmem:s31+$0x30] =	vst v2;
	v2 =	vld [tilespmem:s3+$0x20]  }
0x7d: {  	s1 =	simm.s32 $0x96F0;
	s5 =	simm.s32 $0x40;
	vm1 =	veq.f32 v7, $0.0e+00;
	v5 =	vld [tilespmem:s29+$0x20];
	[tilespmem:s31+$0xFFFFFFD0] =	vst v4;
	v4 =	vsel vm0, $0x0, v6  }
0x7e: {  	s30 =	simm.s32 $0x15EF0;
	s0 =	simm.s32 $0x0;
	vm0 =	veq.f32 v9, $0.0e+00;
	v7 =	vsel vm1, $0x0, v8;
	v6 =	vadd.f32 v10, v9;
	[tilespmem:s31+$0xFFFFFFE0] =	vst v4;
	v4 =	vld [tilespmem:s3+$0xFFFFFFC0];
	s3 =	simm.s32 $0x9740  }
.LBB2_6:
0x7f: {  	v8 =	vld [tilespmem:s3+$0x30];
	[tilespmem:s31+$0xFFFFFFF0] =	vst v7;
	vm1 =	veq.f32 v1, $0.0e+00;
	s5 =	sadd.s32 $0x80, s5  }
0x80: {  	s0 =	sadd.s32 $0x80, s0;
	v7 =	vld [tilespmem:s5+$0x30];
	v6 =	vsel vm0, $0x0, v6;
	v1 =	vadd.f32 v3, v1  }
0x81: {  	p0 =	slt.u32 s0, $0x3180;
	v3 =	vld [tilespmem:s5+$0xFFFFFFC0];
	[tilespmem:s31+$0x0] =	vst v6;
	vm0 =	veq.f32 v2, $0.0e+00  }
0x82: {  	v6 =	vld [tilespmem:s3+$0xFFFFFFD0];
	v1 =	vsel vm1, $0x0, v1;
	v2 =	vadd.f32 v5, v2  }
0x83: {  	v5 =	vld [tilespmem:s5+$0xFFFFFFD0];
	vm1 =	veq.f32 v4, $0.0e+00;
	v10 =	vadd.f32 v0, v4;
	[tilespmem:s31+$0x10] =	vst v1  }
0x84: {  	v1 =	vld [tilespmem:s3+$0xFFFFFFE0];
	v2 =	vsel vm0, $0x0, v2  }
0x85: {  	v4 =	vld [tilespmem:s5+$0xFFFFFFE0];
	v7 =	vadd.f32 v7, v8;
	v9 =	vsel vm1, $0x0, v10;
	[tilespmem:s31+$0x20] =	vst v2  }
0x86: {  	vm0 =	veq.f32 v8, $0.0e+00;
	v2 =	vld [tilespmem:s3+$0xFFFFFFF0];
	[tilespmem:s31+$0xFFFFFFC0] =	vst v9;
	v0 =	vmov v3  }
0x87: {  	s31 =	sadd.s32 $0x100, s31;
	vm1 =	veq.f32 v6, $0.0e+00;
	v8 =	vld [tilespmem:s5+$0xFFFFFFF0];
	v3 =	vsel vm0, $0x0, v7  }
0x88: {  	v5 =	vadd.f32 v5, v6;
	v6 =	vld [tilespmem:s3+$0x0];
	[tilespmem:s31+$0x30] =	vst v3  }
0x89: {  	vm0 =	veq.f32 v1, $0.0e+00;
	v9 =	vld [tilespmem:s5+$0x0]  }
.Ltmp2:
0x8a: {  	v3 =	vsel vm1, $0x0, v5;
	v4 =	vadd.f32 v4, v1;
	v1 =	vld [tilespmem:s3+$0x10];
	(pc) =	sbr.rel @p0 .LBB2_6-.Ltmp2, $4  }
0x8b: {  	[tilespmem:s31+$0xFFFFFFD0] =	vst v3;
	vm1 =	veq.f32 v2, $0.0e+00;
	v3 =	vld [tilespmem:s5+$0x10]  }
0x8c: {  	v4 =	vsel vm0, $0x0, v4;
	v7 =	vadd.f32 v8, v2;
	v2 =	vld [tilespmem:s3+$0x20]  }
0x8d: {  	[tilespmem:s31+$0xFFFFFFE0] =	vst v4;
	vm0 =	veq.f32 v6, $0.0e+00;
	v5 =	vld [tilespmem:s5+$0x20]  }
0x8e: {  	v4 =	vld [tilespmem:s3+$0xFFFFFFC0];
	v7 =	vsel vm1, $0x0, v7;
	v6 =	vadd.f32 v9, v6;
	s3 =	sadd.s32 $0x100, s3  }
0x8f: {  	_ =	sdelay $0x1  }
0x90: {  	v3 =	vadd.f32 v3, v1  }
0x91: {  	[tilespmem:s31+$0xFFFFFFF0] =	vst v7;
	vm1 =	veq.f32 v1, $0.0e+00;
	v1 =	vsel vm0, $0x0, v6;
	v5 =	vadd.f32 v5, v2  }
0x92: {  	[tilespmem:s31+$0x0] =	vst v1;
	vm0 =	veq.f32 v2, $0.0e+00;
	v1 =	vsel vm1, $0x0, v3;
	v0 =	vadd.f32 v0, v4  }
0x93: {  	vm1 =	veq.f32 v4, $0.0e+00;
	[tilespmem:s31+$0x10] =	vst v1;
	v1 =	vsel vm0, $0x0, v5  }
0x94: {  	v0 =	vsel vm1, $0x0, v0;
	[tilespmem:s31+$0x20] =	vst v1  }
0x95: {  	[tilespmem:s31+$0xFFFFFFC0] =	vst v0  }
0x96: {  	v1 =	vld [tilespmem:s1+$0x0]  }
0x97: {  	v2 =	vld [tilespmem:s29+$0x30]  }
0x98: {  	v0 =	vld [tilespmem:s29+$0xFFFFFFC0]  }
0x99: {  	v3 =	vld [tilespmem:s1+$0xFFFFFFA0]  }
0x9a: {  	v4 =	vld [tilespmem:s29+$0xFFFFFFD0]  }
0x9b: {  	v5 =	vld [tilespmem:s1+$0xFFFFFFB0]  }
0x9c: {  	v6 =	vld [tilespmem:s29+$0xFFFFFFE0]  }
0x9d: {  	v7 =	vld [tilespmem:s1+$0xFFFFFFC0]  }
0x9e: {  	v8 =	vld [tilespmem:s29+$0xFFFFFFF0]  }
0x9f: {  	v9 =	vld [tilespmem:s1+$0xFFFFFFD0]  }
0xa0: {  	v10 =	vld [tilespmem:s29+$0x0];
	v2 =	vadd.f32 v2, v1  }
0xa1: {  	vm0 =	veq.f32 v1, $0.0e+00;
	v4 =	vadd.f32 v4, v3;
	v1 =	vld [tilespmem:s1+$0xFFFFFFE0]  }
0xa2: {  	vm1 =	veq.f32 v3, $0.0e+00;
	v6 =	vadd.f32 v6, v5;
	v3 =	vld [tilespmem:s29+$0x10];
	v2 =	vsel vm0, $0x0, v2  }
0xa3: {  	v8 =	vadd.f32 v8, v7;
	vm0 =	veq.f32 v5, $0.0e+00;
	v4 =	vsel vm1, $0x0, v4;
	[tilespmem:s30+$0x0] =	vst v2;
	v2 =	vld [tilespmem:s1+$0xFFFFFFF0]  }
0xa4: {  	vm1 =	veq.f32 v7, $0.0e+00;
	v5 =	vld [tilespmem:s29+$0x20];
	[tilespmem:s30+$0xFFFFFFA0] =	vst v4;
	v4 =	vsel vm0, $0x0, v6  }
0xa5: {  	s0 =	simm.s32 $0x0;
	vm0 =	veq.f32 v9, $0.0e+00;
	v7 =	vsel vm1, $0x0, v8;
	v6 =	vadd.f32 v10, v9;
	[tilespmem:s30+$0xFFFFFFB0] =	vst v4;
	v4 =	vld [tilespmem:s1+$0xFFFFFF90];
	s1 =	simm.s32 $0x97F0  }
.LBB2_8:
0xa6: {  	v8 =	vld [tilespmem:s1+$0x0];
	[tilespmem:s30+$0xFFFFFFC0] =	vst v7;
	vm1 =	veq.f32 v1, $0.0e+00;
	s29 =	sadd.s32 $0x80, s29  }
0xa7: {  	s0 =	sadd.s32 $0x80, s0;
	v7 =	vld [tilespmem:s29+$0x30];
	v6 =	vsel vm0, $0x0, v6;
	v1 =	vadd.f32 v3, v1  }
0xa8: {  	p0 =	slt.u32 s0, $0x3180;
	v3 =	vld [tilespmem:s29+$0xFFFFFFC0];
	[tilespmem:s30+$0xFFFFFFD0] =	vst v6;
	vm0 =	veq.f32 v2, $0.0e+00  }
0xa9: {  	v6 =	vld [tilespmem:s1+$0xFFFFFFA0];
	v1 =	vsel vm1, $0x0, v1;
	v2 =	vadd.f32 v5, v2  }
0xaa: {  	v5 =	vld [tilespmem:s29+$0xFFFFFFD0];
	vm1 =	veq.f32 v4, $0.0e+00;
	v10 =	vadd.f32 v0, v4;
	[tilespmem:s30+$0xFFFFFFE0] =	vst v1  }
0xab: {  	v1 =	vld [tilespmem:s1+$0xFFFFFFB0];
	v2 =	vsel vm0, $0x0, v2  }
0xac: {  	v4 =	vld [tilespmem:s29+$0xFFFFFFE0];
	v7 =	vadd.f32 v7, v8;
	v9 =	vsel vm1, $0x0, v10;
	[tilespmem:s30+$0xFFFFFFF0] =	vst v2  }
0xad: {  	vm0 =	veq.f32 v8, $0.0e+00;
	v2 =	vld [tilespmem:s1+$0xFFFFFFC0];
	[tilespmem:s30+$0xFFFFFF90] =	vst v9;
	v0 =	vmov v3  }
0xae: {  	s30 =	sadd.s32 $0x100, s30;
	vm1 =	veq.f32 v6, $0.0e+00;
	v8 =	vld [tilespmem:s29+$0xFFFFFFF0];
	v3 =	vsel vm0, $0x0, v7  }
0xaf: {  	v5 =	vadd.f32 v5, v6;
	v6 =	vld [tilespmem:s1+$0xFFFFFFD0];
	[tilespmem:s30+$0x0] =	vst v3  }
0xb0: {  	vm0 =	veq.f32 v1, $0.0e+00;
	v9 =	vld [tilespmem:s29+$0x0]  }
.Ltmp3:
0xb1: {  	v3 =	vsel vm1, $0x0, v5;
	v4 =	vadd.f32 v4, v1;
	v1 =	vld [tilespmem:s1+$0xFFFFFFE0];
	(pc) =	sbr.rel @p0 .LBB2_8-.Ltmp3, $4  }
0xb2: {  	[tilespmem:s30+$0xFFFFFFA0] =	vst v3;
	vm1 =	veq.f32 v2, $0.0e+00;
	v3 =	vld [tilespmem:s29+$0x10]  }
0xb3: {  	v4 =	vsel vm0, $0x0, v4;
	v7 =	vadd.f32 v8, v2;
	v2 =	vld [tilespmem:s1+$0xFFFFFFF0]  }
0xb4: {  	[tilespmem:s30+$0xFFFFFFB0] =	vst v4;
	vm0 =	veq.f32 v6, $0.0e+00;
	v5 =	vld [tilespmem:s29+$0x20]  }
0xb5: {  	v4 =	vld [tilespmem:s1+$0xFFFFFF90];
	v7 =	vsel vm1, $0x0, v7;
	v6 =	vadd.f32 v9, v6;
	s1 =	sadd.s32 $0x100, s1  }
0xb6: {  	_ =	sdelay $0x1  }
0xb7: {  	v3 =	vadd.f32 v3, v1  }
0xb8: {  	[tilespmem:s30+$0xFFFFFFC0] =	vst v7;
	vm1 =	veq.f32 v1, $0.0e+00;
	v61 =	vsel vm0, $0x0, v6;
	v5 =	vadd.f32 v5, v2  }
0xb9: {  	[tilespmem:s30+$0xFFFFFFD0] =	vst v61;
	vm14 =	veq.f32 v2, $0.0e+00;
	v62 =	vsel vm1, $0x0, v3;
	v0 =	vadd.f32 v0, v4  }
0xba: {  	vm15 =	veq.f32 v4, $0.0e+00;
	[tilespmem:s30+$0xFFFFFFE0] =	vst v62;
	v63 =	vsel vm14, $0x0, v5  }
0xbb: {  	v0 =	vsel vm15, $0x0, v0;
	[tilespmem:s30+$0xFFFFFFF0] =	vst v63  }
0xbc: {  	[tilespmem:s30+$0xFFFFFF90] =	vst v0  }
0xbd: {  	[hbm4b:s11+s16] =	stream.strided.scatter [tilespmem:s24], [sflag:$0x4], $0x6400, s17, s16, $0x38;
	[tilespmem:$0x1C200] =	vst v63  }
0xbe: {  	s29 =	simm.s32 $0x0  }
0xbf: {  	[tilespmem:s19], [sflag:$0x2] =	stream.strided.gather [hbm4b:s12+s16], $0x6400, s17, s16, $0x38;
	[tilespmem:$0x1C200] =	vst v63  }
.LBB2_10:
0xc0: {  	_ =	swait.ge [sflag:s21], $0x6400  }
0xc1: {  	[sflag:s21] =	ssyncset.done $0x0  }
0xc2: {  	[sflag:s21] =	ssyncadd.s32 $0xFFFF9C00  }
0xc3: {  	_ =	swait.ge [sflag:s25], $0x6400  }
0xc4: {  	[sflag:s25] =	ssyncset.done $0x0  }
0xc5: {  	s3 =	simm.s32 $0x3240;
	[sflag:s25] =	ssyncadd.s32 $0xFFFF9C00  }
0xc6: {  	s30 =	simm.s32 $0x40;
	v1 =	vld [tilespmem:s3+$0x30]  }
0xc7: {  	v2 =	vld [tilespmem:s30+$0x30]  }
0xc8: {  	v0 =	vld [tilespmem:s30+$0xFFFFFFC0]  }
0xc9: {  	v3 =	vld [tilespmem:s3+$0xFFFFFFD0]  }
0xca: {  	v4 =	vld [tilespmem:s30+$0xFFFFFFD0]  }
0xcb: {  	v5 =	vld [tilespmem:s3+$0xFFFFFFE0]  }
0xcc: {  	v6 =	vld [tilespmem:s30+$0xFFFFFFE0]  }
0xcd: {  	v7 =	vld [tilespmem:s3+$0xFFFFFFF0]  }
0xce: {  	v8 =	vld [tilespmem:s30+$0xFFFFFFF0]  }
0xcf: {  	v9 =	vld [tilespmem:s3+$0x0]  }
0xd0: {  	v10 =	vld [tilespmem:s30+$0x0];
	v2 =	vadd.f32 v2, v1  }
0xd1: {  	vm0 =	veq.f32 v1, $0.0e+00;
	v4 =	vadd.f32 v4, v3;
	v1 =	vld [tilespmem:s3+$0x10]  }
0xd2: {  	s1 =	simm.s32 $0xFA40;
	vm1 =	veq.f32 v3, $0.0e+00;
	v6 =	vadd.f32 v6, v5;
	v3 =	vld [tilespmem:s30+$0x10];
	v2 =	vsel vm0, $0x0, v2  }
0xd3: {  	v8 =	vadd.f32 v8, v7;
	vm0 =	veq.f32 v5, $0.0e+00;
	v4 =	vsel vm1, $0x0, v4;
	[tilespmem:s1+$0x30] =	vst v2;
	v2 =	vld [tilespmem:s3+$0x20]  }
0xd4: {  	vm1 =	veq.f32 v7, $0.0e+00;
	v5 =	vld [tilespmem:s30+$0x20];
	[tilespmem:s1+$0xFFFFFFD0] =	vst v4;
	v4 =	vsel vm0, $0x0, v6  }
0xd5: {  	s0 =	simm.s32 $0x0;
	s5 =	simm.s32 $0x40;
	vm0 =	veq.f32 v9, $0.0e+00;
	v7 =	vsel vm1, $0x0, v8;
	v6 =	vadd.f32 v10, v9;
	[tilespmem:s1+$0xFFFFFFE0] =	vst v4;
	v4 =	vld [tilespmem:s3+$0xFFFFFFC0];
	s3 =	simm.s32 $0x3340  }
.LBB2_11:
0xd6: {  	v8 =	vld [tilespmem:s3+$0x30];
	[tilespmem:s1+$0xFFFFFFF0] =	vst v7;
	vm1 =	veq.f32 v1, $0.0e+00;
	s5 =	sadd.s32 $0x80, s5  }
0xd7: {  	s0 =	sadd.s32 $0x80, s0;
	v7 =	vld [tilespmem:s5+$0x30];
	v6 =	vsel vm0, $0x0, v6;
	v1 =	vadd.f32 v3, v1  }
0xd8: {  	p0 =	slt.u32 s0, $0x3180;
	v3 =	vld [tilespmem:s5+$0xFFFFFFC0];
	[tilespmem:s1+$0x0] =	vst v6;
	vm0 =	veq.f32 v2, $0.0e+00  }
0xd9: {  	v6 =	vld [tilespmem:s3+$0xFFFFFFD0];
	v1 =	vsel vm1, $0x0, v1;
	v2 =	vadd.f32 v5, v2  }
0xda: {  	v5 =	vld [tilespmem:s5+$0xFFFFFFD0];
	vm1 =	veq.f32 v4, $0.0e+00;
	v10 =	vadd.f32 v0, v4;
	[tilespmem:s1+$0x10] =	vst v1  }
0xdb: {  	v1 =	vld [tilespmem:s3+$0xFFFFFFE0];
	v2 =	vsel vm0, $0x0, v2  }
0xdc: {  	v4 =	vld [tilespmem:s5+$0xFFFFFFE0];
	v7 =	vadd.f32 v7, v8;
	v9 =	vsel vm1, $0x0, v10;
	[tilespmem:s1+$0x20] =	vst v2  }
0xdd: {  	vm0 =	veq.f32 v8, $0.0e+00;
	v2 =	vld [tilespmem:s3+$0xFFFFFFF0];
	[tilespmem:s1+$0xFFFFFFC0] =	vst v9;
	v0 =	vmov v3  }
0xde: {  	s1 =	sadd.s32 $0x100, s1;
	vm1 =	veq.f32 v6, $0.0e+00;
	v8 =	vld [tilespmem:s5+$0xFFFFFFF0];
	v3 =	vsel vm0, $0x0, v7  }
0xdf: {  	s8 =	simm.s32 $0x32F0;
	s31 =	simm.s32 $0xFAF0;
	v5 =	vadd.f32 v5, v6;
	v6 =	vld [tilespmem:s3+$0x0];
	[tilespmem:s1+$0x30] =	vst v3  }
0xe0: {  	vm0 =	veq.f32 v1, $0.0e+00;
	v9 =	vld [tilespmem:s5+$0x0]  }
.Ltmp4:
0xe1: {  	v3 =	vsel vm1, $0x0, v5;
	v4 =	vadd.f32 v4, v1;
	v1 =	vld [tilespmem:s3+$0x10];
	(pc) =	sbr.rel @p0 .LBB2_11-.Ltmp4, $4  }
0xe2: {  	[tilespmem:s1+$0xFFFFFFD0] =	vst v3;
	vm1 =	veq.f32 v2, $0.0e+00;
	v3 =	vld [tilespmem:s5+$0x10]  }
0xe3: {  	v4 =	vsel vm0, $0x0, v4;
	v7 =	vadd.f32 v8, v2;
	v2 =	vld [tilespmem:s3+$0x20]  }
0xe4: {  	[tilespmem:s1+$0xFFFFFFE0] =	vst v4;
	vm0 =	veq.f32 v6, $0.0e+00;
	v5 =	vld [tilespmem:s5+$0x20]  }
0xe5: {  	v4 =	vld [tilespmem:s3+$0xFFFFFFC0];
	v7 =	vsel vm1, $0x0, v7;
	v6 =	vadd.f32 v9, v6;
	s3 =	sadd.s32 $0x100, s3  }
0xe6: {  	_ =	sdelay $0x1  }
0xe7: {  	v3 =	vadd.f32 v3, v1  }
0xe8: {  	[tilespmem:s1+$0xFFFFFFF0] =	vst v7;
	vm1 =	veq.f32 v1, $0.0e+00;
	v1 =	vsel vm0, $0x0, v6;
	v5 =	vadd.f32 v5, v2  }
0xe9: {  	[tilespmem:s1+$0x0] =	vst v1;
	vm0 =	veq.f32 v2, $0.0e+00;
	v1 =	vsel vm1, $0x0, v3;
	v0 =	vadd.f32 v0, v4  }
0xea: {  	vm1 =	veq.f32 v4, $0.0e+00;
	[tilespmem:s1+$0x10] =	vst v1;
	v1 =	vsel vm0, $0x0, v5  }
0xeb: {  	v0 =	vsel vm1, $0x0, v0;
	[tilespmem:s1+$0x20] =	vst v1  }
0xec: {  	[tilespmem:s1+$0xFFFFFFC0] =	vst v0  }
0xed: {  	v1 =	vld [tilespmem:s8+$0x0]  }
0xee: {  	v2 =	vld [tilespmem:s30+$0x30]  }
0xef: {  	v0 =	vld [tilespmem:s30+$0xFFFFFFC0]  }
0xf0: {  	v3 =	vld [tilespmem:s8+$0xFFFFFFA0]  }
0xf1: {  	v4 =	vld [tilespmem:s30+$0xFFFFFFD0]  }
0xf2: {  	v5 =	vld [tilespmem:s8+$0xFFFFFFB0]  }
0xf3: {  	v6 =	vld [tilespmem:s30+$0xFFFFFFE0]  }
0xf4: {  	v7 =	vld [tilespmem:s8+$0xFFFFFFC0]  }
0xf5: {  	v8 =	vld [tilespmem:s30+$0xFFFFFFF0]  }
0xf6: {  	v9 =	vld [tilespmem:s8+$0xFFFFFFD0]  }
0xf7: {  	v10 =	vld [tilespmem:s30+$0x0];
	v2 =	vadd.f32 v2, v1  }
0xf8: {  	vm0 =	veq.f32 v1, $0.0e+00;
	v11 =	vadd.f32 v4, v3;
	v1 =	vld [tilespmem:s8+$0xFFFFFFE0]  }
0xf9: {  	vm1 =	veq.f32 v3, $0.0e+00;
	v3 =	vadd.f32 v6, v5;
	v4 =	vld [tilespmem:s30+$0x10];
	v2 =	vsel vm0, $0x0, v2  }
0xfa: {  	v6 =	vadd.f32 v8, v7;
	vm0 =	veq.f32 v5, $0.0e+00;
	v5 =	vsel vm1, $0x0, v11;
	[tilespmem:s31+$0x0] =	vst v2;
	v2 =	vld [tilespmem:s8+$0xFFFFFFF0]  }
0xfb: {  	vm1 =	veq.f32 v7, $0.0e+00;
	[tilespmem:s31+$0xFFFFFFA0] =	vst v5;
	v3 =	vsel vm0, $0x0, v3;
	v5 =	vld [tilespmem:s30+$0x20]  }
0xfc: {  	s0 =	simm.s32 $0x0;
	s1 =	simm.s32 $0x33F0;
	vm0 =	veq.f32 v9, $0.0e+00;
	v7 =	vsel vm1, $0x0, v6;
	v6 =	vadd.f32 v10, v9;
	[tilespmem:s31+$0xFFFFFFB0] =	vst v3;
	v3 =	vld [tilespmem:s8+$0xFFFFFF90]  }
.LBB2_13:
0xfd: {  	v8 =	vld [tilespmem:s1+$0x0];
	[tilespmem:s31+$0xFFFFFFC0] =	vst v7;
	vm1 =	veq.f32 v1, $0.0e+00;
	s30 =	sadd.s32 $0x80, s30  }
0xfe: {  	s0 =	sadd.s32 $0x80, s0;
	v7 =	vld [tilespmem:s30+$0x30];
	v6 =	vsel vm0, $0x0, v6;
	v1 =	vadd.f32 v4, v1  }
0xff: {  	p0 =	slt.u32 s0, $0x3180;
	v4 =	vld [tilespmem:s30+$0xFFFFFFC0];
	[tilespmem:s31+$0xFFFFFFD0] =	vst v6;
	vm0 =	veq.f32 v2, $0.0e+00  }
0x100: {  	v6 =	vld [tilespmem:s1+$0xFFFFFFA0];
	v1 =	vsel vm1, $0x0, v1;
	v2 =	vadd.f32 v5, v2  }
0x101: {  	v5 =	vld [tilespmem:s30+$0xFFFFFFD0];
	vm1 =	veq.f32 v3, $0.0e+00;
	v10 =	vadd.f32 v0, v3;
	[tilespmem:s31+$0xFFFFFFE0] =	vst v1  }
0x102: {  	v1 =	vld [tilespmem:s1+$0xFFFFFFB0];
	v2 =	vsel vm0, $0x0, v2  }
0x103: {  	v3 =	vld [tilespmem:s30+$0xFFFFFFE0];
	v7 =	vadd.f32 v7, v8;
	v9 =	vsel vm1, $0x0, v10;
	[tilespmem:s31+$0xFFFFFFF0] =	vst v2  }
0x104: {  	vm0 =	veq.f32 v8, $0.0e+00;
	v2 =	vld [tilespmem:s1+$0xFFFFFFC0];
	[tilespmem:s31+$0xFFFFFF90] =	vst v9;
	v0 =	vmov v4  }
0x105: {  	s31 =	sadd.s32 $0x100, s31;
	vm1 =	veq.f32 v6, $0.0e+00;
	v8 =	vld [tilespmem:s30+$0xFFFFFFF0];
	v4 =	vsel vm0, $0x0, v7  }
0x106: {  	v5 =	vadd.f32 v5, v6;
	v6 =	vld [tilespmem:s1+$0xFFFFFFD0];
	[tilespmem:s31+$0x0] =	vst v4  }
0x107: {  	vm0 =	veq.f32 v1, $0.0e+00;
	v9 =	vld [tilespmem:s30+$0x0]  }
.Ltmp5:
0x108: {  	v4 =	vsel vm1, $0x0, v5;
	v3 =	vadd.f32 v3, v1;
	v1 =	vld [tilespmem:s1+$0xFFFFFFE0];
	(pc) =	sbr.rel @p0 .LBB2_13-.Ltmp5, $4  }
0x109: {  	[tilespmem:s31+$0xFFFFFFA0] =	vst v4;
	vm1 =	veq.f32 v2, $0.0e+00;
	v4 =	vld [tilespmem:s30+$0x10]  }
0x10a: {  	v3 =	vsel vm0, $0x0, v3;
	v7 =	vadd.f32 v8, v2;
	v2 =	vld [tilespmem:s1+$0xFFFFFFF0]  }
0x10b: {  	[tilespmem:s31+$0xFFFFFFB0] =	vst v3;
	vm0 =	veq.f32 v6, $0.0e+00;
	v5 =	vld [tilespmem:s30+$0x20]  }
0x10c: {  	v3 =	vld [tilespmem:s1+$0xFFFFFF90];
	v7 =	vsel vm1, $0x0, v7;
	v6 =	vadd.f32 v9, v6;
	s1 =	sadd.s32 $0x100, s1  }
0x10d: {  	s30 =	sshll.u32 s29, $0x2  }
0x10e: {  	s0 =	sadd.s32 $0x4, s30  }
0x10f: {  	s1 =	sshrl.u32 s0, $0x3  }
0x110: {  	v4 =	vadd.f32 v4, v1;
	s1 =	smul.u32 $0x19000, s1  }
0x111: {  	[tilespmem:s31+$0xFFFFFFC0] =	vst v7;
	vm1 =	veq.f32 v1, $0.0e+00;
	v1 =	vsel vm0, $0x0, v6;
	s0 =	sshll.u32 s0, $0x7;
	v5 =	vadd.f32 v5, v2  }
0x112: {  	[tilespmem:s31+$0xFFFFFFD0] =	vst v1;
	vm0 =	veq.f32 v2, $0.0e+00;
	v1 =	vsel vm1, $0x0, v4;
	s0 =	sand.u32 $0x200, s0;
	v0 =	vadd.f32 v0, v3;
	s1 =	sadd.s32 s4, s1  }
0x113: {  	vm1 =	veq.f32 v3, $0.0e+00;
	[tilespmem:s31+$0xFFFFFFE0] =	vst v1;
	v1 =	vsel vm0, $0x0, v5;
	s0 =	sor.u32 s0, s1  }
0x114: {  	v0 =	vsel vm1, $0x0, v0;
	[tilespmem:s31+$0xFFFFFFF0] =	vst v1;
	s0 =	sshrl.u32 s0, $0x3  }
0x115: {  	s5 =	sadd.s32 $0x8, s30;
	[tilespmem:s31+$0xFFFFFF90] =	vst v0;
	s0 =	sadd.s32 s6, s0  }
0x116: {  	[hbm4b:s0+s16] =	stream.strided.scatter [tilespmem:s22], [sflag:$0x3], $0x6400, s17, s16, $0x38;
	[tilespmem:$0x1C200] =	vst v63  }
0x117: {  	s0 =	sshrl.u32 s5, $0x3  }
0x118: {  	s0 =	smul.u32 $0x19000, s0  }
0x119: {  	s8 =	sshll.u32 s29, $0x9  }
0x11a: {  	s1 =	sand.u32 $0x200, s8;
	s0 =	sadd.s32 s4, s0  }
0x11b: {  	s0 =	sor.u32 s1, s0  }
0x11c: {  	s0 =	sshrl.u32 s0, $0x3  }
0x11d: {  	s0 =	sadd.s32 s2, s0  }
0x11e: {  	[tilespmem:s18], [sflag:$0x1] =	stream.strided.gather [hbm4b:s0+s16], $0x6400, s17, s16, $0x38;
	[tilespmem:$0x1C200] =	vst v63  }
0x11f: {  	_ =	swait.ge [sflag:s23], $0x6400  }
0x120: {  	[sflag:s23] =	ssyncset.done $0x0  }
0x121: {  	[sflag:s23] =	ssyncadd.s32 $0xFFFF9C00  }
0x122: {  	_ =	swait.ge [sflag:s26], $0x6400  }
0x123: {  	[sflag:s26] =	ssyncset.done $0x0  }
0x124: {  	s10 =	simm.s32 $0x9640;
	[sflag:s26] =	ssyncadd.s32 $0xFFFF9C00  }
0x125: {  	s31 =	simm.s32 $0x40;
	v1 =	vld [tilespmem:s10+$0x30]  }
0x126: {  	v2 =	vld [tilespmem:s31+$0x30]  }
0x127: {  	v0 =	vld [tilespmem:s31+$0xFFFFFFC0]  }
0x128: {  	v3 =	vld [tilespmem:s10+$0xFFFFFFD0]  }
0x129: {  	v4 =	vld [tilespmem:s31+$0xFFFFFFD0]  }
0x12a: {  	v5 =	vld [tilespmem:s10+$0xFFFFFFE0]  }
0x12b: {  	v6 =	vld [tilespmem:s31+$0xFFFFFFE0]  }
0x12c: {  	v7 =	vld [tilespmem:s10+$0xFFFFFFF0]  }
0x12d: {  	v8 =	vld [tilespmem:s31+$0xFFFFFFF0]  }
0x12e: {  	v9 =	vld [tilespmem:s10+$0x0]  }
0x12f: {  	v10 =	vld [tilespmem:s31+$0x0];
	v2 =	vadd.f32 v2, v1  }
0x130: {  	vm0 =	veq.f32 v1, $0.0e+00;
	v4 =	vadd.f32 v4, v3;
	v1 =	vld [tilespmem:s10+$0x10]  }
0x131: {  	s0 =	simm.s32 $0x15E40;
	vm1 =	veq.f32 v3, $0.0e+00;
	v6 =	vadd.f32 v6, v5;
	v3 =	vld [tilespmem:s31+$0x10];
	v2 =	vsel vm0, $0x0, v2  }
0x132: {  	v8 =	vadd.f32 v8, v7;
	vm0 =	veq.f32 v5, $0.0e+00;
	v4 =	vsel vm1, $0x0, v4;
	[tilespmem:s0+$0x30] =	vst v2;
	v2 =	vld [tilespmem:s10+$0x20]  }
0x133: {  	vm1 =	veq.f32 v7, $0.0e+00;
	v5 =	vld [tilespmem:s31+$0x20];
	[tilespmem:s0+$0xFFFFFFD0] =	vst v4;
	v4 =	vsel vm0, $0x0, v6  }
0x134: {  	s3 =	simm.s32 $0x0;
	s8 =	simm.s32 $0x40;
	s5 =	simm.s32 $0x9740;
	vm0 =	veq.f32 v9, $0.0e+00;
	v7 =	vsel vm1, $0x0, v8;
	v6 =	vadd.f32 v10, v9;
	[tilespmem:s0+$0xFFFFFFE0] =	vst v4;
	v4 =	vld [tilespmem:s10+$0xFFFFFFC0]  }
.LBB2_15:
0x135: {  	v8 =	vld [tilespmem:s5+$0x30];
	[tilespmem:s0+$0xFFFFFFF0] =	vst v7;
	vm1 =	veq.f32 v1, $0.0e+00;
	s8 =	sadd.s32 $0x80, s8  }
0x136: {  	s3 =	sadd.s32 $0x80, s3;
	v7 =	vld [tilespmem:s8+$0x30];
	v6 =	vsel vm0, $0x0, v6;
	v1 =	vadd.f32 v3, v1  }
0x137: {  	p0 =	slt.u32 s3, $0x3180;
	v3 =	vld [tilespmem:s8+$0xFFFFFFC0];
	[tilespmem:s0+$0x0] =	vst v6;
	vm0 =	veq.f32 v2, $0.0e+00  }
0x138: {  	v6 =	vld [tilespmem:s5+$0xFFFFFFD0];
	v1 =	vsel vm1, $0x0, v1;
	v2 =	vadd.f32 v5, v2  }
0x139: {  	v5 =	vld [tilespmem:s8+$0xFFFFFFD0];
	vm1 =	veq.f32 v4, $0.0e+00;
	v10 =	vadd.f32 v0, v4;
	[tilespmem:s0+$0x10] =	vst v1  }
0x13a: {  	v1 =	vld [tilespmem:s5+$0xFFFFFFE0];
	v2 =	vsel vm0, $0x0, v2  }
0x13b: {  	v4 =	vld [tilespmem:s8+$0xFFFFFFE0];
	v7 =	vadd.f32 v7, v8;
	v9 =	vsel vm1, $0x0, v10;
	[tilespmem:s0+$0x20] =	vst v2  }
0x13c: {  	vm0 =	veq.f32 v8, $0.0e+00;
	v2 =	vld [tilespmem:s5+$0xFFFFFFF0];
	[tilespmem:s0+$0xFFFFFFC0] =	vst v9;
	v0 =	vmov v3  }
0x13d: {  	s0 =	sadd.s32 $0x100, s0;
	vm1 =	veq.f32 v6, $0.0e+00;
	v8 =	vld [tilespmem:s8+$0xFFFFFFF0];
	v3 =	vsel vm0, $0x0, v7  }
0x13e: {  	s10 =	simm.s32 $0x96F0;
	s1 =	simm.s32 $0x15EF0;
	v5 =	vadd.f32 v5, v6;
	v6 =	vld [tilespmem:s5+$0x0];
	[tilespmem:s0+$0x30] =	vst v3  }
0x13f: {  	vm0 =	veq.f32 v1, $0.0e+00;
	v9 =	vld [tilespmem:s8+$0x0]  }
.Ltmp6:
0x140: {  	v3 =	vsel vm1, $0x0, v5;
	v4 =	vadd.f32 v4, v1;
	v1 =	vld [tilespmem:s5+$0x10];
	(pc) =	sbr.rel @p0 .LBB2_15-.Ltmp6, $4  }
0x141: {  	[tilespmem:s0+$0xFFFFFFD0] =	vst v3;
	vm1 =	veq.f32 v2, $0.0e+00;
	v3 =	vld [tilespmem:s8+$0x10]  }
0x142: {  	v4 =	vsel vm0, $0x0, v4;
	v7 =	vadd.f32 v8, v2;
	v2 =	vld [tilespmem:s5+$0x20]  }
0x143: {  	[tilespmem:s0+$0xFFFFFFE0] =	vst v4;
	vm0 =	veq.f32 v6, $0.0e+00;
	v5 =	vld [tilespmem:s8+$0x20]  }
0x144: {  	v4 =	vld [tilespmem:s5+$0xFFFFFFC0];
	v7 =	vsel vm1, $0x0, v7;
	v6 =	vadd.f32 v9, v6;
	s5 =	sadd.s32 $0x100, s5  }
0x145: {  	_ =	sdelay $0x1  }
0x146: {  	v3 =	vadd.f32 v3, v1  }
0x147: {  	[tilespmem:s0+$0xFFFFFFF0] =	vst v7;
	vm1 =	veq.f32 v1, $0.0e+00;
	v1 =	vsel vm0, $0x0, v6;
	v5 =	vadd.f32 v5, v2  }
0x148: {  	[tilespmem:s0+$0x0] =	vst v1;
	vm0 =	veq.f32 v2, $0.0e+00;
	v1 =	vsel vm1, $0x0, v3;
	v0 =	vadd.f32 v0, v4  }
0x149: {  	vm1 =	veq.f32 v4, $0.0e+00;
	[tilespmem:s0+$0x10] =	vst v1;
	v1 =	vsel vm0, $0x0, v5  }
0x14a: {  	v0 =	vsel vm1, $0x0, v0;
	[tilespmem:s0+$0x20] =	vst v1  }
0x14b: {  	[tilespmem:s0+$0xFFFFFFC0] =	vst v0  }
0x14c: {  	v1 =	vld [tilespmem:s10+$0x0]  }
0x14d: {  	v2 =	vld [tilespmem:s31+$0x30]  }
0x14e: {  	v0 =	vld [tilespmem:s31+$0xFFFFFFC0]  }
0x14f: {  	v3 =	vld [tilespmem:s10+$0xFFFFFFA0]  }
0x150: {  	v4 =	vld [tilespmem:s31+$0xFFFFFFD0]  }
0x151: {  	v5 =	vld [tilespmem:s10+$0xFFFFFFB0]  }
0x152: {  	v6 =	vld [tilespmem:s31+$0xFFFFFFE0]  }
0x153: {  	v7 =	vld [tilespmem:s10+$0xFFFFFFC0]  }
0x154: {  	v8 =	vld [tilespmem:s31+$0xFFFFFFF0]  }
0x155: {  	v9 =	vld [tilespmem:s10+$0xFFFFFFD0]  }
0x156: {  	v10 =	vld [tilespmem:s31+$0x0];
	v2 =	vadd.f32 v2, v1  }
0x157: {  	vm0 =	veq.f32 v1, $0.0e+00;
	v11 =	vadd.f32 v4, v3;
	v1 =	vld [tilespmem:s10+$0xFFFFFFE0]  }
0x158: {  	vm1 =	veq.f32 v3, $0.0e+00;
	v3 =	vadd.f32 v6, v5;
	v4 =	vld [tilespmem:s31+$0x10];
	v2 =	vsel vm0, $0x0, v2  }
0x159: {  	v6 =	vadd.f32 v8, v7;
	vm0 =	veq.f32 v5, $0.0e+00;
	v5 =	vsel vm1, $0x0, v11;
	[tilespmem:s1+$0x0] =	vst v2;
	v2 =	vld [tilespmem:s10+$0xFFFFFFF0]  }
0x15a: {  	vm1 =	veq.f32 v7, $0.0e+00;
	[tilespmem:s1+$0xFFFFFFA0] =	vst v5;
	v3 =	vsel vm0, $0x0, v3;
	v5 =	vld [tilespmem:s31+$0x20]  }
0x15b: {  	s3 =	simm.s32 $0x97F0;
	s0 =	simm.s32 $0x0;
	vm0 =	veq.f32 v9, $0.0e+00;
	v7 =	vsel vm1, $0x0, v6;
	v6 =	vadd.f32 v10, v9;
	[tilespmem:s1+$0xFFFFFFB0] =	vst v3;
	v3 =	vld [tilespmem:s10+$0xFFFFFF90]  }
.LBB2_17:
0x15c: {  	v8 =	vld [tilespmem:s3+$0x0];
	[tilespmem:s1+$0xFFFFFFC0] =	vst v7;
	vm1 =	veq.f32 v1, $0.0e+00;
	s31 =	sadd.s32 $0x80, s31  }
0x15d: {  	s0 =	sadd.s32 $0x80, s0;
	v7 =	vld [tilespmem:s31+$0x30];
	v6 =	vsel vm0, $0x0, v6;
	v1 =	vadd.f32 v4, v1  }
0x15e: {  	p0 =	slt.u32 s0, $0x3180;
	v4 =	vld [tilespmem:s31+$0xFFFFFFC0];
	[tilespmem:s1+$0xFFFFFFD0] =	vst v6;
	vm0 =	veq.f32 v2, $0.0e+00  }
0x15f: {  	v6 =	vld [tilespmem:s3+$0xFFFFFFA0];
	v1 =	vsel vm1, $0x0, v1;
	v2 =	vadd.f32 v5, v2  }
0x160: {  	v5 =	vld [tilespmem:s31+$0xFFFFFFD0];
	vm1 =	veq.f32 v3, $0.0e+00;
	v10 =	vadd.f32 v0, v3;
	[tilespmem:s1+$0xFFFFFFE0] =	vst v1  }
0x161: {  	v1 =	vld [tilespmem:s3+$0xFFFFFFB0];
	v2 =	vsel vm0, $0x0, v2  }
0x162: {  	v3 =	vld [tilespmem:s31+$0xFFFFFFE0];
	v7 =	vadd.f32 v7, v8;
	v9 =	vsel vm1, $0x0, v10;
	[tilespmem:s1+$0xFFFFFFF0] =	vst v2  }
0x163: {  	vm0 =	veq.f32 v8, $0.0e+00;
	v2 =	vld [tilespmem:s3+$0xFFFFFFC0];
	[tilespmem:s1+$0xFFFFFF90] =	vst v9;
	v0 =	vmov v4  }
0x164: {  	s1 =	sadd.s32 $0x100, s1;
	vm1 =	veq.f32 v6, $0.0e+00;
	v8 =	vld [tilespmem:s31+$0xFFFFFFF0];
	v4 =	vsel vm0, $0x0, v7  }
0x165: {  	v5 =	vadd.f32 v5, v6;
	v6 =	vld [tilespmem:s3+$0xFFFFFFD0];
	[tilespmem:s1+$0x0] =	vst v4  }
0x166: {  	vm0 =	veq.f32 v1, $0.0e+00;
	v9 =	vld [tilespmem:s31+$0x0]  }
.Ltmp7:
0x167: {  	v4 =	vsel vm1, $0x0, v5;
	v3 =	vadd.f32 v3, v1;
	v1 =	vld [tilespmem:s3+$0xFFFFFFE0];
	(pc) =	sbr.rel @p0 .LBB2_17-.Ltmp7, $4  }
0x168: {  	[tilespmem:s1+$0xFFFFFFA0] =	vst v4;
	vm1 =	veq.f32 v2, $0.0e+00;
	v4 =	vld [tilespmem:s31+$0x10]  }
0x169: {  	v3 =	vsel vm0, $0x0, v3;
	v7 =	vadd.f32 v8, v2;
	v2 =	vld [tilespmem:s3+$0xFFFFFFF0]  }
0x16a: {  	[tilespmem:s1+$0xFFFFFFB0] =	vst v3;
	vm0 =	veq.f32 v6, $0.0e+00;
	v5 =	vld [tilespmem:s31+$0x20]  }
0x16b: {  	v3 =	vld [tilespmem:s3+$0xFFFFFF90];
	v7 =	vsel vm1, $0x0, v7;
	v6 =	vadd.f32 v9, v6;
	s3 =	sadd.s32 $0x100, s3  }
0x16c: {  	s0 =	sadd.s32 $0x6, s30  }
0x16d: {  	s3 =	sshrl.u32 s0, $0x3  }
0x16e: {  	v4 =	vadd.f32 v4, v1;
	s3 =	smul.u32 $0x19000, s3  }
0x16f: {  	[tilespmem:s1+$0xFFFFFFC0] =	vst v7;
	vm1 =	veq.f32 v1, $0.0e+00;
	v61 =	vsel vm0, $0x0, v6;
	s0 =	sshll.u32 s0, $0x7;
	v5 =	vadd.f32 v5, v2  }
0x170: {  	[tilespmem:s1+$0xFFFFFFD0] =	vst v61;
	vm14 =	veq.f32 v2, $0.0e+00;
	s0 =	sand.u32 $0x300, s0;
	v62 =	vsel vm1, $0x0, v4;
	v0 =	vadd.f32 v0, v3;
	s3 =	sadd.s32 s4, s3  }
0x171: {  	s30 =	sadd.s32 $0xA, s30;
	vm15 =	veq.f32 v3, $0.0e+00;
	[tilespmem:s1+$0xFFFFFFE0] =	vst v62;
	s0 =	sor.u32 s0, s3;
	v63 =	vsel vm14, $0x0, v5  }
0x172: {  	s31 =	sshrl.u32 s30, $0x3;
	v0 =	vsel vm15, $0x0, v0;
	[tilespmem:s1+$0xFFFFFFF0] =	vst v63;
	s0 =	sshrl.u32 s0, $0x3  }
0x173: {  	s29 =	sadd.s32 $0x1, s29;
	[tilespmem:s1+$0xFFFFFF90] =	vst v0;
	s0 =	sadd.s32 s6, s0;
	s1 =	smul.u32 $0x19000, s31  }
0x174: {  	[hbm4b:s0+s16] =	stream.strided.scatter [tilespmem:s24], [sflag:$0x4], $0x6400, s17, s16, $0x38;
	[tilespmem:$0x1C200] =	vst v63  }
0x175: {  	p0 =	sne.s32 s29, $0x1E;
	s0 =	sshll.u32 s30, $0x7  }
.Ltmp8:
0x176: {  	s1 =	sadd.s32 s4, s1;
	s0 =	sand.u32 $0x300, s0;
	(pc) =	sbr.rel @p0 .LBB2_10-.Ltmp8, $4  }
0x177: {  	s0 =	sor.u32 s0, s1  }
0x178: {  	s0 =	sshrl.u32 s0, $0x3  }
0x179: {  	s0 =	sadd.s32 s2, s0  }
0x17a: {  	[tilespmem:s19], [sflag:$0x2] =	stream.strided.gather [hbm4b:s0+s16], $0x6400, s17, s16, $0x38;
	[tilespmem:$0x1C200] =	vst v63  }
0x17b: {  	_ =	swait.ge [sflag:s21], $0x6400  }
0x17c: {  	[sflag:s21] =	ssyncset.done $0x0  }
0x17d: {  	[sflag:s21] =	ssyncadd.s32 $0xFFFF9C00  }
0x17e: {  	_ =	swait.ge [sflag:s25], $0x6400  }
0x17f: {  	[sflag:s25] =	ssyncset.done $0x0  }
0x180: {  	s1 =	simm.s32 $0x3240;
	[sflag:s25] =	ssyncadd.s32 $0xFFFF9C00  }
0x181: {  	s29 =	simm.s32 $0x40;
	v1 =	vld [tilespmem:s1+$0x30]  }
0x182: {  	v2 =	vld [tilespmem:s29+$0x30]  }
0x183: {  	v0 =	vld [tilespmem:s29+$0xFFFFFFC0]  }
0x184: {  	v3 =	vld [tilespmem:s1+$0xFFFFFFD0]  }
0x185: {  	v4 =	vld [tilespmem:s29+$0xFFFFFFD0]  }
0x186: {  	v5 =	vld [tilespmem:s1+$0xFFFFFFE0]  }
0x187: {  	v6 =	vld [tilespmem:s29+$0xFFFFFFE0]  }
0x188: {  	v7 =	vld [tilespmem:s1+$0xFFFFFFF0]  }
0x189: {  	v8 =	vld [tilespmem:s29+$0xFFFFFFF0]  }
0x18a: {  	v9 =	vld [tilespmem:s1+$0x0]  }
0x18b: {  	v10 =	vld [tilespmem:s29+$0x0];
	v2 =	vadd.f32 v2, v1  }
0x18c: {  	vm0 =	veq.f32 v1, $0.0e+00;
	v4 =	vadd.f32 v4, v3;
	v1 =	vld [tilespmem:s1+$0x10]  }
0x18d: {  	s0 =	simm.s32 $0xFA40;
	vm1 =	veq.f32 v3, $0.0e+00;
	v6 =	vadd.f32 v6, v5;
	v3 =	vld [tilespmem:s29+$0x10];
	v2 =	vsel vm0, $0x0, v2  }
0x18e: {  	v8 =	vadd.f32 v8, v7;
	vm0 =	veq.f32 v5, $0.0e+00;
	v4 =	vsel vm1, $0x0, v4;
	[tilespmem:s0+$0x30] =	vst v2;
	v2 =	vld [tilespmem:s1+$0x20]  }
0x18f: {  	vm1 =	veq.f32 v7, $0.0e+00;
	v5 =	vld [tilespmem:s29+$0x20];
	[tilespmem:s0+$0xFFFFFFD0] =	vst v4;
	v4 =	vsel vm0, $0x0, v6  }
0x190: {  	s3 =	simm.s32 $0x0;
	s5 =	simm.s32 $0x3340;
	s8 =	simm.s32 $0x40;
	vm0 =	veq.f32 v9, $0.0e+00;
	v7 =	vsel vm1, $0x0, v8;
	v6 =	vadd.f32 v10, v9;
	[tilespmem:s0+$0xFFFFFFE0] =	vst v4;
	v4 =	vld [tilespmem:s1+$0xFFFFFFC0]  }
.LBB2_20:
0x191: {  	v8 =	vld [tilespmem:s5+$0x30];
	[tilespmem:s0+$0xFFFFFFF0] =	vst v7;
	vm1 =	veq.f32 v1, $0.0e+00;
	s8 =	sadd.s32 $0x80, s8  }
0x192: {  	s3 =	sadd.s32 $0x80, s3;
	v7 =	vld [tilespmem:s8+$0x30];
	v6 =	vsel vm0, $0x0, v6;
	v1 =	vadd.f32 v3, v1  }
0x193: {  	p0 =	slt.u32 s3, $0x3180;
	v3 =	vld [tilespmem:s8+$0xFFFFFFC0];
	[tilespmem:s0+$0x0] =	vst v6;
	vm0 =	veq.f32 v2, $0.0e+00  }
0x194: {  	v6 =	vld [tilespmem:s5+$0xFFFFFFD0];
	v1 =	vsel vm1, $0x0, v1;
	v2 =	vadd.f32 v5, v2  }
0x195: {  	v5 =	vld [tilespmem:s8+$0xFFFFFFD0];
	vm1 =	veq.f32 v4, $0.0e+00;
	v10 =	vadd.f32 v0, v4;
	[tilespmem:s0+$0x10] =	vst v1  }
0x196: {  	v1 =	vld [tilespmem:s5+$0xFFFFFFE0];
	v2 =	vsel vm0, $0x0, v2  }
0x197: {  	v4 =	vld [tilespmem:s8+$0xFFFFFFE0];
	v7 =	vadd.f32 v7, v8;
	v9 =	vsel vm1, $0x0, v10;
	[tilespmem:s0+$0x20] =	vst v2  }
0x198: {  	vm0 =	veq.f32 v8, $0.0e+00;
	v2 =	vld [tilespmem:s5+$0xFFFFFFF0];
	[tilespmem:s0+$0xFFFFFFC0] =	vst v9;
	v0 =	vmov v3  }
0x199: {  	s0 =	sadd.s32 $0x100, s0;
	vm1 =	veq.f32 v6, $0.0e+00;
	v8 =	vld [tilespmem:s8+$0xFFFFFFF0];
	v3 =	vsel vm0, $0x0, v7  }
0x19a: {  	s10 =	simm.s32 $0x32F0;
	s1 =	simm.s32 $0xFAF0;
	v5 =	vadd.f32 v5, v6;
	v6 =	vld [tilespmem:s5+$0x0];
	[tilespmem:s0+$0x30] =	vst v3  }
0x19b: {  	vm0 =	veq.f32 v1, $0.0e+00;
	v9 =	vld [tilespmem:s8+$0x0]  }
.Ltmp9:
0x19c: {  	v3 =	vsel vm1, $0x0, v5;
	v4 =	vadd.f32 v4, v1;
	v1 =	vld [tilespmem:s5+$0x10];
	(pc) =	sbr.rel @p0 .LBB2_20-.Ltmp9, $4  }
0x19d: {  	[tilespmem:s0+$0xFFFFFFD0] =	vst v3;
	vm1 =	veq.f32 v2, $0.0e+00;
	v3 =	vld [tilespmem:s8+$0x10]  }
0x19e: {  	v4 =	vsel vm0, $0x0, v4;
	v7 =	vadd.f32 v8, v2;
	v2 =	vld [tilespmem:s5+$0x20]  }
0x19f: {  	[tilespmem:s0+$0xFFFFFFE0] =	vst v4;
	vm0 =	veq.f32 v6, $0.0e+00;
	v5 =	vld [tilespmem:s8+$0x20]  }
0x1a0: {  	v4 =	vld [tilespmem:s5+$0xFFFFFFC0];
	v7 =	vsel vm1, $0x0, v7;
	v6 =	vadd.f32 v9, v6;
	s5 =	sadd.s32 $0x100, s5  }
0x1a1: {  	_ =	sdelay $0x1  }
0x1a2: {  	v3 =	vadd.f32 v3, v1  }
0x1a3: {  	[tilespmem:s0+$0xFFFFFFF0] =	vst v7;
	vm1 =	veq.f32 v1, $0.0e+00;
	v1 =	vsel vm0, $0x0, v6;
	v5 =	vadd.f32 v5, v2  }
0x1a4: {  	[tilespmem:s0+$0x0] =	vst v1;
	vm0 =	veq.f32 v2, $0.0e+00;
	v1 =	vsel vm1, $0x0, v3;
	v0 =	vadd.f32 v0, v4  }
0x1a5: {  	vm1 =	veq.f32 v4, $0.0e+00;
	[tilespmem:s0+$0x10] =	vst v1;
	v1 =	vsel vm0, $0x0, v5  }
0x1a6: {  	v0 =	vsel vm1, $0x0, v0;
	[tilespmem:s0+$0x20] =	vst v1  }
0x1a7: {  	[tilespmem:s0+$0xFFFFFFC0] =	vst v0  }
0x1a8: {  	v1 =	vld [tilespmem:s10+$0x0]  }
0x1a9: {  	v2 =	vld [tilespmem:s29+$0x30]  }
0x1aa: {  	v0 =	vld [tilespmem:s29+$0xFFFFFFC0]  }
0x1ab: {  	v3 =	vld [tilespmem:s10+$0xFFFFFFA0]  }
0x1ac: {  	v4 =	vld [tilespmem:s29+$0xFFFFFFD0]  }
0x1ad: {  	v5 =	vld [tilespmem:s10+$0xFFFFFFB0]  }
0x1ae: {  	v6 =	vld [tilespmem:s29+$0xFFFFFFE0]  }
0x1af: {  	v7 =	vld [tilespmem:s10+$0xFFFFFFC0]  }
0x1b0: {  	v8 =	vld [tilespmem:s29+$0xFFFFFFF0]  }
0x1b1: {  	v9 =	vld [tilespmem:s10+$0xFFFFFFD0]  }
0x1b2: {  	v10 =	vld [tilespmem:s29+$0x0];
	v2 =	vadd.f32 v2, v1  }
0x1b3: {  	vm0 =	veq.f32 v1, $0.0e+00;
	v4 =	vadd.f32 v4, v3;
	v1 =	vld [tilespmem:s10+$0xFFFFFFE0]  }
0x1b4: {  	vm1 =	veq.f32 v3, $0.0e+00;
	v6 =	vadd.f32 v6, v5;
	v3 =	vld [tilespmem:s29+$0x10];
	v2 =	vsel vm0, $0x0, v2  }
0x1b5: {  	v8 =	vadd.f32 v8, v7;
	vm0 =	veq.f32 v5, $0.0e+00;
	v4 =	vsel vm1, $0x0, v4;
	[tilespmem:s1+$0x0] =	vst v2;
	v2 =	vld [tilespmem:s10+$0xFFFFFFF0]  }
0x1b6: {  	vm1 =	veq.f32 v7, $0.0e+00;
	v5 =	vld [tilespmem:s29+$0x20];
	[tilespmem:s1+$0xFFFFFFA0] =	vst v4;
	v4 =	vsel vm0, $0x0, v6  }
0x1b7: {  	s3 =	simm.s32 $0x33F0;
	s0 =	simm.s32 $0x0;
	vm0 =	veq.f32 v9, $0.0e+00;
	v7 =	vsel vm1, $0x0, v8;
	v6 =	vadd.f32 v10, v9;
	[tilespmem:s1+$0xFFFFFFB0] =	vst v4;
	v4 =	vld [tilespmem:s10+$0xFFFFFF90]  }
.LBB2_22:
0x1b8: {  	v8 =	vld [tilespmem:s3+$0x0];
	[tilespmem:s1+$0xFFFFFFC0] =	vst v7;
	vm1 =	veq.f32 v1, $0.0e+00;
	s29 =	sadd.s32 $0x80, s29  }
0x1b9: {  	s0 =	sadd.s32 $0x80, s0;
	v7 =	vld [tilespmem:s29+$0x30];
	v6 =	vsel vm0, $0x0, v6;
	v1 =	vadd.f32 v3, v1  }
0x1ba: {  	p0 =	slt.u32 s0, $0x3180;
	v3 =	vld [tilespmem:s29+$0xFFFFFFC0];
	[tilespmem:s1+$0xFFFFFFD0] =	vst v6;
	vm0 =	veq.f32 v2, $0.0e+00  }
0x1bb: {  	v6 =	vld [tilespmem:s3+$0xFFFFFFA0];
	v1 =	vsel vm1, $0x0, v1;
	v2 =	vadd.f32 v5, v2  }
0x1bc: {  	v5 =	vld [tilespmem:s29+$0xFFFFFFD0];
	vm1 =	veq.f32 v4, $0.0e+00;
	v10 =	vadd.f32 v0, v4;
	[tilespmem:s1+$0xFFFFFFE0] =	vst v1  }
0x1bd: {  	v1 =	vld [tilespmem:s3+$0xFFFFFFB0];
	v2 =	vsel vm0, $0x0, v2  }
0x1be: {  	v4 =	vld [tilespmem:s29+$0xFFFFFFE0];
	v7 =	vadd.f32 v7, v8;
	v9 =	vsel vm1, $0x0, v10;
	[tilespmem:s1+$0xFFFFFFF0] =	vst v2  }
0x1bf: {  	vm0 =	veq.f32 v8, $0.0e+00;
	v2 =	vld [tilespmem:s3+$0xFFFFFFC0];
	[tilespmem:s1+$0xFFFFFF90] =	vst v9;
	v0 =	vmov v3  }
0x1c0: {  	s1 =	sadd.s32 $0x100, s1;
	vm1 =	veq.f32 v6, $0.0e+00;
	v8 =	vld [tilespmem:s29+$0xFFFFFFF0];
	v3 =	vsel vm0, $0x0, v7  }
0x1c1: {  	v5 =	vadd.f32 v5, v6;
	v6 =	vld [tilespmem:s3+$0xFFFFFFD0];
	[tilespmem:s1+$0x0] =	vst v3  }
0x1c2: {  	vm0 =	veq.f32 v1, $0.0e+00;
	v9 =	vld [tilespmem:s29+$0x0]  }
.Ltmp10:
0x1c3: {  	v3 =	vsel vm1, $0x0, v5;
	v4 =	vadd.f32 v4, v1;
	v1 =	vld [tilespmem:s3+$0xFFFFFFE0];
	(pc) =	sbr.rel @p0 .LBB2_22-.Ltmp10, $4  }
0x1c4: {  	[tilespmem:s1+$0xFFFFFFA0] =	vst v3;
	vm1 =	veq.f32 v2, $0.0e+00;
	v3 =	vld [tilespmem:s29+$0x10]  }
0x1c5: {  	v4 =	vsel vm0, $0x0, v4;
	v7 =	vadd.f32 v8, v2;
	v2 =	vld [tilespmem:s3+$0xFFFFFFF0]  }
0x1c6: {  	[tilespmem:s1+$0xFFFFFFB0] =	vst v4;
	vm0 =	veq.f32 v6, $0.0e+00;
	v5 =	vld [tilespmem:s29+$0x20]  }
0x1c7: {  	v4 =	vld [tilespmem:s3+$0xFFFFFF90];
	v7 =	vsel vm1, $0x0, v7;
	v6 =	vadd.f32 v9, v6;
	s3 =	sadd.s32 $0x100, s3  }
0x1c8: {  	_ =	sdelay $0x1  }
0x1c9: {  	v3 =	vadd.f32 v3, v1  }
0x1ca: {  	[tilespmem:s1+$0xFFFFFFC0] =	vst v7;
	vm1 =	veq.f32 v1, $0.0e+00;
	v1 =	vsel vm0, $0x0, v6;
	v5 =	vadd.f32 v5, v2  }
0x1cb: {  	[tilespmem:s1+$0xFFFFFFD0] =	vst v1;
	vm0 =	veq.f32 v2, $0.0e+00;
	v1 =	vsel vm1, $0x0, v3;
	v0 =	vadd.f32 v0, v4  }
0x1cc: {  	vm1 =	veq.f32 v4, $0.0e+00;
	[tilespmem:s1+$0xFFFFFFE0] =	vst v1;
	v1 =	vsel vm0, $0x0, v5  }
0x1cd: {  	v0 =	vsel vm1, $0x0, v0;
	[tilespmem:s1+$0xFFFFFFF0] =	vst v1  }
0x1ce: {  	[tilespmem:s1+$0xFFFFFF90] =	vst v0  }
0x1cf: {  	[hbm4b:s13+s16] =	stream.strided.scatter [tilespmem:s22], [sflag:$0x3], $0x6400, s17, s16, $0x38;
	[tilespmem:$0x1C200] =	vst v63  }
0x1d0: {  	_ =	swait.ge [sflag:s23], $0x6400  }
0x1d1: {  	[sflag:s23] =	ssyncset.done $0x0  }
0x1d2: {  	[sflag:s23] =	ssyncadd.s32 $0xFFFF9C00  }
0x1d3: {  	_ =	swait.ge [sflag:s26], $0x6400  }
0x1d4: {  	[sflag:s26] =	ssyncset.done $0x0  }
0x1d5: {  	s31 =	simm.s32 $0x9640;
	[sflag:s26] =	ssyncadd.s32 $0xFFFF9C00  }
0x1d6: {  	s29 =	simm.s32 $0x40;
	v1 =	vld [tilespmem:s31+$0x30]  }
0x1d7: {  	v2 =	vld [tilespmem:s29+$0x30]  }
0x1d8: {  	v0 =	vld [tilespmem:s29+$0xFFFFFFC0]  }
0x1d9: {  	v3 =	vld [tilespmem:s31+$0xFFFFFFD0]  }
0x1da: {  	v4 =	vld [tilespmem:s29+$0xFFFFFFD0]  }
0x1db: {  	v5 =	vld [tilespmem:s31+$0xFFFFFFE0]  }
0x1dc: {  	v6 =	vld [tilespmem:s29+$0xFFFFFFE0]  }
0x1dd: {  	v7 =	vld [tilespmem:s31+$0xFFFFFFF0]  }
0x1de: {  	v8 =	vld [tilespmem:s29+$0xFFFFFFF0]  }
0x1df: {  	v9 =	vld [tilespmem:s31+$0x0]  }
0x1e0: {  	v10 =	vld [tilespmem:s29+$0x0];
	v2 =	vadd.f32 v2, v1  }
0x1e1: {  	vm0 =	veq.f32 v1, $0.0e+00;
	v4 =	vadd.f32 v4, v3;
	v1 =	vld [tilespmem:s31+$0x10]  }
0x1e2: {  	s0 =	simm.s32 $0x15E40;
	vm1 =	veq.f32 v3, $0.0e+00;
	v6 =	vadd.f32 v6, v5;
	v3 =	vld [tilespmem:s29+$0x10];
	v2 =	vsel vm0, $0x0, v2  }
0x1e3: {  	v8 =	vadd.f32 v8, v7;
	vm0 =	veq.f32 v5, $0.0e+00;
	v4 =	vsel vm1, $0x0, v4;
	[tilespmem:s0+$0x30] =	vst v2;
	v2 =	vld [tilespmem:s31+$0x20]  }
0x1e4: {  	vm1 =	veq.f32 v7, $0.0e+00;
	v5 =	vld [tilespmem:s29+$0x20];
	[tilespmem:s0+$0xFFFFFFD0] =	vst v4;
	v4 =	vsel vm0, $0x0, v6  }
0x1e5: {  	s3 =	simm.s32 $0x0;
	s5 =	simm.s32 $0x9740;
	s8 =	simm.s32 $0x40;
	vm0 =	veq.f32 v9, $0.0e+00;
	v7 =	vsel vm1, $0x0, v8;
	v6 =	vadd.f32 v10, v9;
	[tilespmem:s0+$0xFFFFFFE0] =	vst v4;
	v4 =	vld [tilespmem:s31+$0xFFFFFFC0]  }
.LBB2_24:
0x1e6: {  	v8 =	vld [tilespmem:s5+$0x30];
	[tilespmem:s0+$0xFFFFFFF0] =	vst v7;
	vm1 =	veq.f32 v1, $0.0e+00;
	s8 =	sadd.s32 $0x80, s8  }
0x1e7: {  	s3 =	sadd.s32 $0x80, s3;
	v7 =	vld [tilespmem:s8+$0x30];
	v6 =	vsel vm0, $0x0, v6;
	v1 =	vadd.f32 v3, v1  }
0x1e8: {  	p0 =	slt.u32 s3, $0x3180;
	v3 =	vld [tilespmem:s8+$0xFFFFFFC0];
	[tilespmem:s0+$0x0] =	vst v6;
	vm0 =	veq.f32 v2, $0.0e+00  }
0x1e9: {  	v6 =	vld [tilespmem:s5+$0xFFFFFFD0];
	v1 =	vsel vm1, $0x0, v1;
	v2 =	vadd.f32 v5, v2  }
0x1ea: {  	v5 =	vld [tilespmem:s8+$0xFFFFFFD0];
	vm1 =	veq.f32 v4, $0.0e+00;
	v10 =	vadd.f32 v0, v4;
	[tilespmem:s0+$0x10] =	vst v1  }
0x1eb: {  	v1 =	vld [tilespmem:s5+$0xFFFFFFE0];
	v2 =	vsel vm0, $0x0, v2  }
0x1ec: {  	v4 =	vld [tilespmem:s8+$0xFFFFFFE0];
	v7 =	vadd.f32 v7, v8;
	v9 =	vsel vm1, $0x0, v10;
	[tilespmem:s0+$0x20] =	vst v2  }
0x1ed: {  	vm0 =	veq.f32 v8, $0.0e+00;
	v2 =	vld [tilespmem:s5+$0xFFFFFFF0];
	[tilespmem:s0+$0xFFFFFFC0] =	vst v9;
	v0 =	vmov v3  }
0x1ee: {  	s0 =	sadd.s32 $0x100, s0;
	vm1 =	veq.f32 v6, $0.0e+00;
	v8 =	vld [tilespmem:s8+$0xFFFFFFF0];
	v3 =	vsel vm0, $0x0, v7  }
0x1ef: {  	s10 =	simm.s32 $0x96F0;
	s1 =	simm.s32 $0x15EF0;
	v5 =	vadd.f32 v5, v6;
	v6 =	vld [tilespmem:s5+$0x0];
	[tilespmem:s0+$0x30] =	vst v3  }
0x1f0: {  	vm0 =	veq.f32 v1, $0.0e+00;
	v9 =	vld [tilespmem:s8+$0x0]  }
.Ltmp11:
0x1f1: {  	v3 =	vsel vm1, $0x0, v5;
	v4 =	vadd.f32 v4, v1;
	v1 =	vld [tilespmem:s5+$0x10];
	(pc) =	sbr.rel @p0 .LBB2_24-.Ltmp11, $4  }
0x1f2: {  	[tilespmem:s0+$0xFFFFFFD0] =	vst v3;
	vm1 =	veq.f32 v2, $0.0e+00;
	v3 =	vld [tilespmem:s8+$0x10]  }
0x1f3: {  	v4 =	vsel vm0, $0x0, v4;
	v7 =	vadd.f32 v8, v2;
	v2 =	vld [tilespmem:s5+$0x20]  }
0x1f4: {  	[tilespmem:s0+$0xFFFFFFE0] =	vst v4;
	vm0 =	veq.f32 v6, $0.0e+00;
	v5 =	vld [tilespmem:s8+$0x20]  }
0x1f5: {  	v4 =	vld [tilespmem:s5+$0xFFFFFFC0];
	v7 =	vsel vm1, $0x0, v7;
	v6 =	vadd.f32 v9, v6;
	s5 =	sadd.s32 $0x100, s5  }
0x1f6: {  	_ =	sdelay $0x1  }
0x1f7: {  	v3 =	vadd.f32 v3, v1  }
0x1f8: {  	[tilespmem:s0+$0xFFFFFFF0] =	vst v7;
	vm1 =	veq.f32 v1, $0.0e+00;
	v1 =	vsel vm0, $0x0, v6;
	v5 =	vadd.f32 v5, v2  }
0x1f9: {  	[tilespmem:s0+$0x0] =	vst v1;
	vm0 =	veq.f32 v2, $0.0e+00;
	v1 =	vsel vm1, $0x0, v3;
	v0 =	vadd.f32 v0, v4  }
0x1fa: {  	vm1 =	veq.f32 v4, $0.0e+00;
	[tilespmem:s0+$0x10] =	vst v1;
	v1 =	vsel vm0, $0x0, v5  }
0x1fb: {  	v0 =	vsel vm1, $0x0, v0;
	[tilespmem:s0+$0x20] =	vst v1  }
0x1fc: {  	[tilespmem:s0+$0xFFFFFFC0] =	vst v0  }
0x1fd: {  	v1 =	vld [tilespmem:s10+$0x0]  }
0x1fe: {  	v2 =	vld [tilespmem:s29+$0x30]  }
0x1ff: {  	v0 =	vld [tilespmem:s29+$0xFFFFFFC0]  }
0x200: {  	v3 =	vld [tilespmem:s10+$0xFFFFFFA0]  }
0x201: {  	v4 =	vld [tilespmem:s29+$0xFFFFFFD0]  }
0x202: {  	v5 =	vld [tilespmem:s10+$0xFFFFFFB0]  }
0x203: {  	v6 =	vld [tilespmem:s29+$0xFFFFFFE0]  }
0x204: {  	v7 =	vld [tilespmem:s10+$0xFFFFFFC0]  }
0x205: {  	v8 =	vld [tilespmem:s29+$0xFFFFFFF0]  }
0x206: {  	v9 =	vld [tilespmem:s10+$0xFFFFFFD0]  }
0x207: {  	v10 =	vld [tilespmem:s29+$0x0];
	v2 =	vadd.f32 v2, v1  }
0x208: {  	vm0 =	veq.f32 v1, $0.0e+00;
	v4 =	vadd.f32 v4, v3;
	v1 =	vld [tilespmem:s10+$0xFFFFFFE0]  }
0x209: {  	vm1 =	veq.f32 v3, $0.0e+00;
	v6 =	vadd.f32 v6, v5;
	v3 =	vld [tilespmem:s29+$0x10];
	v2 =	vsel vm0, $0x0, v2  }
0x20a: {  	v8 =	vadd.f32 v8, v7;
	vm0 =	veq.f32 v5, $0.0e+00;
	v4 =	vsel vm1, $0x0, v4;
	[tilespmem:s1+$0x0] =	vst v2;
	v2 =	vld [tilespmem:s10+$0xFFFFFFF0]  }
0x20b: {  	vm1 =	veq.f32 v7, $0.0e+00;
	v5 =	vld [tilespmem:s29+$0x20];
	[tilespmem:s1+$0xFFFFFFA0] =	vst v4;
	v4 =	vsel vm0, $0x0, v6  }
0x20c: {  	s3 =	simm.s32 $0x97F0;
	s0 =	simm.s32 $0x0;
	vm0 =	veq.f32 v9, $0.0e+00;
	v7 =	vsel vm1, $0x0, v8;
	v6 =	vadd.f32 v10, v9;
	[tilespmem:s1+$0xFFFFFFB0] =	vst v4;
	v4 =	vld [tilespmem:s10+$0xFFFFFF90]  }
.LBB2_26:
0x20d: {  	v8 =	vld [tilespmem:s3+$0x0];
	[tilespmem:s1+$0xFFFFFFC0] =	vst v7;
	vm1 =	veq.f32 v1, $0.0e+00;
	s29 =	sadd.s32 $0x80, s29  }
0x20e: {  	s0 =	sadd.s32 $0x80, s0;
	v7 =	vld [tilespmem:s29+$0x30];
	v6 =	vsel vm0, $0x0, v6;
	v1 =	vadd.f32 v3, v1  }
0x20f: {  	p0 =	slt.u32 s0, $0x3180;
	v3 =	vld [tilespmem:s29+$0xFFFFFFC0];
	[tilespmem:s1+$0xFFFFFFD0] =	vst v6;
	vm0 =	veq.f32 v2, $0.0e+00  }
0x210: {  	v6 =	vld [tilespmem:s3+$0xFFFFFFA0];
	v1 =	vsel vm1, $0x0, v1;
	v2 =	vadd.f32 v5, v2  }
0x211: {  	v5 =	vld [tilespmem:s29+$0xFFFFFFD0];
	vm1 =	veq.f32 v4, $0.0e+00;
	v10 =	vadd.f32 v0, v4;
	[tilespmem:s1+$0xFFFFFFE0] =	vst v1  }
0x212: {  	v1 =	vld [tilespmem:s3+$0xFFFFFFB0];
	v2 =	vsel vm0, $0x0, v2  }
0x213: {  	v4 =	vld [tilespmem:s29+$0xFFFFFFE0];
	v7 =	vadd.f32 v7, v8;
	v9 =	vsel vm1, $0x0, v10;
	[tilespmem:s1+$0xFFFFFFF0] =	vst v2  }
0x214: {  	vm0 =	veq.f32 v8, $0.0e+00;
	v2 =	vld [tilespmem:s3+$0xFFFFFFC0];
	[tilespmem:s1+$0xFFFFFF90] =	vst v9;
	v0 =	vmov v3  }
0x215: {  	s1 =	sadd.s32 $0x100, s1;
	vm1 =	veq.f32 v6, $0.0e+00;
	v8 =	vld [tilespmem:s29+$0xFFFFFFF0];
	v3 =	vsel vm0, $0x0, v7  }
0x216: {  	v5 =	vadd.f32 v5, v6;
	v6 =	vld [tilespmem:s3+$0xFFFFFFD0];
	[tilespmem:s1+$0x0] =	vst v3  }
0x217: {  	vm0 =	veq.f32 v1, $0.0e+00;
	v9 =	vld [tilespmem:s29+$0x0]  }
.Ltmp12:
0x218: {  	v3 =	vsel vm1, $0x0, v5;
	v4 =	vadd.f32 v4, v1;
	v1 =	vld [tilespmem:s3+$0xFFFFFFE0];
	(pc) =	sbr.rel @p0 .LBB2_26-.Ltmp12, $4  }
0x219: {  	[tilespmem:s1+$0xFFFFFFA0] =	vst v3;
	vm1 =	veq.f32 v2, $0.0e+00;
	v3 =	vld [tilespmem:s29+$0x10]  }
0x21a: {  	v4 =	vsel vm0, $0x0, v4;
	v7 =	vadd.f32 v8, v2;
	v2 =	vld [tilespmem:s3+$0xFFFFFFF0]  }
0x21b: {  	[tilespmem:s1+$0xFFFFFFB0] =	vst v4;
	vm0 =	veq.f32 v6, $0.0e+00;
	v5 =	vld [tilespmem:s29+$0x20]  }
0x21c: {  	v4 =	vld [tilespmem:s3+$0xFFFFFF90];
	v7 =	vsel vm1, $0x0, v7;
	v6 =	vadd.f32 v9, v6;
	s3 =	sadd.s32 $0x100, s3  }
0x21d: {  	_ =	sdelay $0x1  }
0x21e: {  	v3 =	vadd.f32 v3, v1  }
0x21f: {  	[tilespmem:s1+$0xFFFFFFC0] =	vst v7;
	vm1 =	veq.f32 v1, $0.0e+00;
	v61 =	vsel vm0, $0x0, v6;
	v5 =	vadd.f32 v5, v2  }
0x220: {  	[tilespmem:s1+$0xFFFFFFD0] =	vst v61;
	vm14 =	veq.f32 v2, $0.0e+00;
	v62 =	vsel vm1, $0x0, v3;
	v0 =	vadd.f32 v0, v4  }
0x221: {  	vm15 =	veq.f32 v4, $0.0e+00;
	[tilespmem:s1+$0xFFFFFFE0] =	vst v62;
	v63 =	vsel vm14, $0x0, v5  }
0x222: {  	v0 =	vsel vm15, $0x0, v0;
	[tilespmem:s1+$0xFFFFFFF0] =	vst v63  }
0x223: {  	s28 =	sadd.s32 $0x1, s28;
	[tilespmem:s1+$0xFFFFFF90] =	vst v0  }
0x224: {  	[hbm4b:s14+s16] =	stream.strided.scatter [tilespmem:s24], [sflag:$0x4], $0x6400, s17, s16, $0x38;
	[tilespmem:$0x1C200] =	vst v63  }
0x225: {  	p0 =	sne.s32 s28, s15;
	_ =	swait.ge [sflag:s25], $0x6400  }
.Ltmp13:
0x226: {  	[sflag:s25] =	ssyncset.done $0x0;
	(pc) =	sbr.rel @p0 .LBB2_1-.Ltmp13, $4  }
0x227: {  	[sflag:s25] =	ssyncadd.s32 $0xFFFF9C00  }
0x228: {  	_ =	swait.ge [sflag:s26], $0x6400  }
0x229: {  	[sflag:s26] =	ssyncset.done $0x0  }
0x22a: {  	[sflag:s26] =	ssyncadd.s32 $0xFFFF9C00  }
0x22b: {  	_ =	sfence.sel $0x180000  }
0x22c: {  	[bflag:$0x0] =	sbarrier.arrive $0xFFFF  }
0x22d: {  	_ =	strace $0x9000004A  }
0x22e: {  	s0 =	stileid.u32;
	[bflag:$0x2] =	sbarrier.arrive $0xFFFF  }
0x22f: {  	p0 =	sne.s32 s0, $0x0;
	s0 =	rddreg [dreg:$0x2]  }
0x230: {  	s0 =	sadd.s32 @!p0 $0x100000, s0  }
0x231: {  	[sflag:s0] =	ssyncadd.tile.s32 @!p0 $0x1;
	_ =	shalt  }
.Lfunc_end2:
_tile_overlayer_lowered:
.L_overlay_start_2:
0x232: {  	(tag) =	ssettag $0x2  }
0x233: {  	s0 =	rddreg [dreg:$0x0];
	s2 =	stileid.u32  }
0x234: {  	s1 =	rddreg [dreg:$0x1];
	p0 =	sne.s32 s2, $0x0  }
0x235: {  	s3 =	rddreg [dreg:$0x2];
	[bflag:$0x3] =	sbarrier.arrive $0xFFFF;
	s2 =	simm.s32 @!p0 $0x1C05  }
0x236: {  	[timem:s3], [sflag:s2] =	dma.local @!p0 [hbm:s0], s1  }
0x237: {  	s0 =	simm.s32 @!p0 $0x5  }
0x238: {  	_ =	swait.ge @!p0 [sflag:s0], s1  }
0x239: {  	s1 =	ssub.s32 @!p0 $0x0, s1;
	[sflag:s0] =	ssyncset.done @!p0 $0x0  }
0x23a: {  	[sflag:s0] =	ssyncadd.s32 @!p0 s1  }
0x23b: {  	[bflag:$0x3] =	sbarrier.arrive $0xFFFF  }
0x23c: {  	_ =	shalt  }

// kernel: sparse-core-data-format-call.cloned.1.call-start
scs
called_computation_lowered:
.L_overlay_start_0:
0x0: {  	s2 =	sld [smem:$0x3FD9]  }
0x1: {  	s3 =	sld [smem:$0x3FFE];
	_ =	sdelay $0x1  }
0x2: {  	s1 =	srdreg.scid  }
0x3: {  	s0 =	sand.u32 $0x1, s1  }
0x4: {  	s18 =	sshll.u32 s0, $0xA;
	s2 =	sadd.s32 s3, s2  }
0x5: {  	s2 =	sadd.s32 s2, s18  }
0x6: {  	[smem:$0x3FC6] =	sst s2  }
0x7: {  	_ = 	snop  }
0x8: {  	s2 =	sld [smem:$0x3FC9];
	(tm) =	ssettm $0x1  }
0x9: {  	s19 =	sld [smem:$0x3FFB];
	_ =	sdelay $0x3  }
0xa: {  	_ =	strace s19  }
0xb: {  	s3 =	sld [smem:$0x3FFC];
	_ =	sdelay $0x3  }
0xc: {  	_ =	strace s3  }
0xd: {  	s3 =	sld [smem:$0x3FFD];
	_ =	sdelay $0x3  }
0xe: {  	_ =	strace s3  }
0xf: {  	_ =	strace $0x8FFFFFFF  }
0x10: {  	s20 =	sld [smem:$0x3FDB];
	_ =	sdelay $0x1  }
0x11: {  	s4 =	simm.s32 $_scs_section_size  }
0x12: {  	s5 =	simm.s32 $_size__tile_overlayer_lowered;
	s6 =	simm.s32 $_tile_overlayer_lowered  }
0x13: {  	s23 =	simm.s32 $0x1BFF;
	s22 =	sshll.u32 s6, $0x1;
	s3 =	sadd.s32 s4, s20  }
0x14: {  	s7 =	simm.s32 $0x0;
	s21 =	sshll.u32 s5, $0x1;
	s5 =	sadd.s32 s22, s3  }
0x15: {  	[timem:s7], [sflag:s23] =	dma.local [hbm:s5], s21  }
0x16: {  	_ =	swait.ge [sflag:s23], s21  }
0x17: {  	s4 =	ssub.s32 $0x0, s21;
	[sflag:s23] =	ssyncset.done $0x0  }
0x18: {  	[sflag:s23] =	ssyncadd.s32 s4;
	_ =	sdelay $0x1  }
0x19: {  	s24 =	simm.s32 $0x1B8B  }
0x1a: {  	_ =	swait.ge [sflag:s24], $0x1  }
0x1b: {  	[sflag:s24] =	ssyncset.done $0x0  }
0x1c: {  	s26 =	simm.s32 $0x1B8E;
	s25 =	sld [smem:$0x3FFE];
	[sflag:s24] =	ssyncadd.s32 $0xFFFFFFFF  }
0x1d: {  	s27 =	simm.s32 $execute0_lowered;
	[smem:$0x3FD2] =	sst s26  }
0x1e: {  	s5 =	sshll.u32 s27, $0x1;
	_ =	strace $0x80000046;
	[dreg:$0x1] =	wrdreg $0xFFFFFFFF  }
0x1f: {  	s28 =	simm.s32 $_size_execute0_lowered;
	s3 =	sadd.s32 s3, s5;
	[dreg:$0x0] =	wrdreg $0x0  }
0x20: {  	s5 =	sshll.u32 s28, $0x1;
	[dreg:$0x2] =	wrdreg s3  }
0x21: {  	[dreg:$0x3] =	wrdreg s5  }
0x22: {  	[dreg:$0x4] =	wrdreg $0xC0  }
0x23: {  	_ =	task [dreg:s7], $0x5FFFF  }
0x24: {  	[dreg:$0x1] =	wrdreg $0xFFFFFFFF  }
0x25: {  	[dreg:$0x0] =	wrdreg $0x60  }
0x26: {  	[dreg:$0x2] =	wrdreg s2  }
0x27: {  	[dreg:$0x3] =	wrdreg s25  }
0x28: {  	[dreg:$0x4] =	wrdreg $0x9  }
0x29: {  	_ =	task.clear_ibuf [dreg:s7], $0x5FFFF;
	_ =	strace $0x90000046  }
0x2a: {  	s29 =	simm.s32 $0x9;
	_ =	strace $0x80000048  }
0x2b: {  	_ =	swait.ge [sflag:s29], $0x1  }
0x2c: {  	[sflag:s29] =	ssyncadd.s32 $0xFFFFFFFF  }
0x2d: {  	_ =	strace $0x90000048  }
0x2e: {  	_ =	sfence  }
0x2f: {  	s30 =	sld [smem:$0x0];
	_ =	sdelay $0x2  }
0x30: {  	s31 =	sshll.u32 s1, $0xD;
	s1 =	sshrl.u32 s1, $0x2  }
0x31: {  	s3 =	sand.u32 $0x4000, s31;
	s1 =	sadd.s32 s1, s30  }
0x32: {  	s0 =	sor.u32 s3, s0;
	s1 =	sshll.u32 s1, $0x11  }
0x33: {  	s0 =	sor.u32 s1, s0  }
0x34: {  	s0 =	sadd.s32 $0x8F2B, s0  }
0x35: {  	[sflag:s0] =	ssyncadd.remote.s32 $0x1  }
0x36: {  	_ =	sfence.sel $0xFFFF  }
0x37: {  	[dreg:$0x0] =	wrdreg $0xFFFFFFFF;
	(pc) =	sbr.abs _section_cstart, $3  }
0x38: {  	[dreg:$0x1] =	wrdreg $0xFFFFFFFF  }
0x39: {  	_ =	task.clear_ibuf [dreg:s7], $0x2FFFF;
	_ =	strace $0x9FFFFFFF  }
0x3a: {  	(tm) =	ssettm $0x7FFFFFFF  }
0x3b: {  	_ =	shalt  }
tec
execute0_lowered:
.L_overlay_start_1:
0x0: {  	(tag) =	ssettag $0x1  }
0x1: {  	s2 =	rddreg [dreg:$0x0]  }
0x2: {  	s1 =	rddreg [dreg:$0x1]  }
0x3: {  	s0 =	rddreg [dreg:$0x2];
	_ =	strace $0x80000047;
	s4 =	srdreg.scid  }
0x4: {  	s6 =	simm.s32 $0x2;
	s11 =	simm.s32 $0x0;
	p0 =	por $0x0, $0x0  }
.Ltmp0:
0x5: {  	s7 =	simm.s32 $0x1000;
	s12 =	simm.s32 $0x0;
	(pc) =	sbr.rel .LBB1_1-.Ltmp0, $4  }
0x6: {  	s9 =	simm.s32 $0x0;
	s3 =	sadd.s32 $0xA00, s1;
	s5 =	sshll.u32 s4, $0x4  }
0x7: {  	s1 =	stileid.u32;
	s4 =	simm.s32 $0x1;
	s5 =	sand.u32 $0x10, s5  }
0x8: {  	s8 =	simm.s32 $0x0;
	[sflag:s4] =	ssyncpa.u1 $0x0;
	s5 =	sor.u32 s1, s5  }
0x9: {  	[sflag:s6] =	ssyncpa.u1 $0x0;
	s6 =	simm.s32 $0x800;
	s10 =	smov.u32 s5  }
.LBB1_7:
0xa: {  	s13 =	sadd.s32 $0x10, s9  }
0xb: {  	s11 =	sadd.s32 $0x20, s10;
	s15 =	smov.u32 s10;
	p2 =	sgt.s32 s13, $0x1F  }
0xc: {  	p1 =	slt.u32 s8, $0x2;
	s15 =	smov.u32 @p2 s11  }
0xd: {  	s8 =	sadd.s32 $0x1, s8;
	s13 =	simm.s32 @p2 $0x0;
	p2 =	sgt.s32 s15, $0x63F  }
0xe: {  	s15 =	smov.u32 @p2 s5;
	p2 =	sne.s32 s8, $0x66  }
.Ltmp1:
0xf: {  	_ = 	snop;
	(pc) =	sbr.rel @!p2 .LBB1_8-.Ltmp1, $4  }
0x10: {  	s14 =	simm.s32 @!p1 $0x2  }
0x11: {  	s12 =	smov.u32 s10;
	_ =	swait.ge @!p1 [sflag:s14], $0x4000  }
0x12: {  	p0 =	por !p0, !p0;
	s11 =	smov.u32 s9;
	[sflag:s14] =	ssyncset.done @!p1 $0x0  }
0x13: {  	s9 =	smov.u32 s13;
	[sflag:s14] =	ssyncadd.s32 @!p1 $0xFFFFC000;
	s10 =	smov.u32 s15  }
.LBB1_1:
0x14: {  	p1 =	sgt.u32 s8, $0x63  }
0x15: {  	s13 =	sxor.u32 @!p1 $0xFFFFFFFF, s8;
	s14 =	sshll.u32 @!p1 s10, $0xC  }
0x16: {  	s15 =	sshll.u32 @!p1 s9, $0x7;
	s13 =	sshll.u32 @!p1 s13, $0xE;
	s14 =	sadd.s32 @!p1 s2, s14  }
0x17: {  	s13 =	sand.u32 @!p1 $0x4000, s13;
	s14 =	sadd.s32 @!p1 s15, s14;
	s15 =	simm.s32 @!p1 $0x0  }
0x18: {  	[tilespmem:s13], [sflag:$0x1] =	stream.linear.gather @!p1 [hbm4b:s14+s15], $0x4000, $0x38;
	[tilespmem:$0x10000] =	vst v63  }
0x19: {  	p1 =	seq.s32 s8, $0x0  }
0x1a: {  	p2 =	seq.s32 @!p1 s8, $0x65  }
0x1b: {  	p1 =	por p1, p2  }
.Ltmp2:
0x1c: {  	_ = 	snop;
	(pc) =	sbr.rel @p1 .LBB1_7-.Ltmp2, $1  }
0x1d: {  	_ =	sdelay $0x3  }
0x1e: {  	s13 =	simm.s32 $0x1;
	_ =	swait.ge [sflag:s4], $0x4000;
	s16 =	sshll.u32 s8, $0xE  }
0x1f: {  	s13 =	simm.s32 @!p0 $0x0;
	[sflag:s4] =	ssyncset.done $0x0;
	s31 =	sand.u32 $0x4000, s16  }
0x20: {  	s16 =	simm.s32 $0x0;
	s14 =	sshll.u32 s13, $0xE;
	[sflag:s4] =	ssyncadd.s32 $0xFFFFC000  }
0x21: {  	s13 =	sor.u32 $0x8040, s14;
	s15 =	sor.u32 $0x40, s14;
	s14 =	sor.u32 $0x8000, s31  }
.LBB1_3:
0x22: {  	v0 =	vmov s15;
	_ =	sdelay $0x3  }
0x23: {  	s18 =	simm.s32 $0x0  }
0x24: {  	v6 =	vld.idx.msk [tilespmem:v0+s18+$0x30 ss:$0x1], $0xffff  }
0x25: {  	v7 =	vld.idx.msk [tilespmem:v0+s18+$0xFFFFFFC0 ss:$0x1], $0xffff  }
0x26: {  	v5 =	vld.idx.msk [tilespmem:v0+s18+$0xFFFFFFD0 ss:$0x1], $0xffff  }
0x27: {  	v4 =	vld.idx.msk [tilespmem:v0+s18+$0xFFFFFFE0 ss:$0x1], $0xffff  }
0x28: {  	v3 =	vld.idx.msk [tilespmem:v0+s18+$0xFFFFFFF0 ss:$0x1], $0xffff  }
0x29: {  	v1 =	vld.idx.msk [tilespmem:v0+s18+$0x0 ss:$0x1], $0xffff  }
0x2a: {  	v2 =	vld.idx.msk [tilespmem:v0+s18+$0x10 ss:$0x1], $0xffff;
	[tilespmem:s13+$0x30] =	vst v6  }
0x2b: {  	s17 =	simm.s32 $0x80;
	s19 =	simm.s32 $0x400;
	[tilespmem:s13+$0xFFFFFFC0] =	vst v7;
	v6 =	vld.idx.msk [tilespmem:v0+s18+$0x20 ss:$0x1], $0xffff;
	s18 =	smov.u32 s13  }
.LBB1_4:
0x2c: {  	p1 =	sne.s32 s19, $0xE00;
	v7 =	vld.idx.msk [tilespmem:v0+s17+$0x30 ss:$0x1], $0xffff;
	[tilespmem:s18+$0xFFFFFFD0] =	vst v5  }
0x2d: {  	v8 =	vld.idx.msk [tilespmem:v0+s17+$0xFFFFFFC0 ss:$0x1], $0xffff;
	[tilespmem:s18+$0xFFFFFFE0] =	vst v4  }
0x2e: {  	v5 =	vld.idx.msk [tilespmem:v0+s17+$0xFFFFFFD0 ss:$0x1], $0xffff;
	[tilespmem:s18+$0xFFFFFFF0] =	vst v3  }
.Ltmp3:
0x2f: {  	v4 =	vld.idx.msk [tilespmem:v0+s17+$0xFFFFFFE0 ss:$0x1], $0xffff;
	[tilespmem:s18+$0x0] =	vst v1;
	(pc) =	sbr.rel @p1 .LBB1_4-.Ltmp3, $4  }
0x30: {  	v3 =	vld.idx.msk [tilespmem:v0+s17+$0xFFFFFFF0 ss:$0x1], $0xffff;
	[tilespmem:s18+$0x10] =	vst v2  }
0x31: {  	v1 =	vld.idx.msk [tilespmem:v0+s17+$0x0 ss:$0x1], $0xffff;
	[tilespmem:s18+$0x20] =	vst v6;
	s18 =	sadd.s32 $0x800, s18  }
0x32: {  	v2 =	vld.idx.msk [tilespmem:v0+s17+$0x10 ss:$0x1], $0xffff;
	[tilespmem:s18+$0x30] =	vst v7  }
0x33: {  	[tilespmem:s18+$0xFFFFFFC0] =	vst v8;
	v6 =	vld.idx.msk [tilespmem:v0+s17+$0x20 ss:$0x1], $0xffff;
	s17 =	sshra.s32 s19, $0x2;
	s19 =	sadd.s32 $0x200, s19  }
0x34: {  	_ =	sdelay $0x2  }
0x35: {  	[tilespmem:s18+$0xFFFFFFD0] =	vst v5  }
0x36: {  	v56 =	vld.idx.msk [tilespmem:v0+s17+$0x30 ss:$0x1], $0xffff;
	[tilespmem:s18+$0xFFFFFFE0] =	vst v4  }
0x37: {  	v57 =	vld.idx.msk [tilespmem:v0+s17+$0xFFFFFFC0 ss:$0x1], $0xffff;
	[tilespmem:s18+$0xFFFFFFF0] =	vst v3  }
0x38: {  	v58 =	vld.idx.msk [tilespmem:v0+s17+$0xFFFFFFD0 ss:$0x1], $0xffff;
	[tilespmem:s18+$0x0] =	vst v1  }
0x39: {  	v59 =	vld.idx.msk [tilespmem:v0+s17+$0xFFFFFFE0 ss:$0x1], $0xffff;
	[tilespmem:s18+$0x10] =	vst v2  }
0x3a: {  	v60 =	vld.idx.msk [tilespmem:v0+s17+$0xFFFFFFF0 ss:$0x1], $0xffff;
	s31 =	sadd.s32 $0x800, s18;
	[tilespmem:s18+$0x20] =	vst v6  }
0x3b: {  	v61 =	vld.idx.msk [tilespmem:v0+s17+$0x0 ss:$0x1], $0xffff;
	[tilespmem:s31+$0x30] =	vst v56  }
0x3c: {  	v62 =	vld.idx.msk [tilespmem:v0+s17+$0x10 ss:$0x1], $0xffff;
	s16 =	sadd.s32 $0x1, s16;
	[tilespmem:s31+$0xFFFFFFC0] =	vst v57  }
0x3d: {  	v63 =	vld.idx.msk [tilespmem:v0+s17+$0x20 ss:$0x1], $0xffff;
	p1 =	sne.s32 s16, $0x10;
	[tilespmem:s31+$0xFFFFFFD0] =	vst v58  }
.Ltmp4:
0x3e: {  	[tilespmem:s31+$0xFFFFFFE0] =	vst v59;
	(pc) =	sbr.rel @p1 .LBB1_3-.Ltmp4, $4  }
0x3f: {  	[tilespmem:s31+$0xFFFFFFF0] =	vst v60  }
0x40: {  	[tilespmem:s31+$0x0] =	vst v61  }
0x41: {  	[tilespmem:s31+$0x10] =	vst v62  }
0x42: {  	s13 =	sadd.s32 $0x80, s13;
	s15 =	sadd.s32 $0x400, s15;
	[tilespmem:s31+$0x20] =	vst v63  }
.Ltmp5:
0x43: {  	(pc) =	sbr.rel .LBB1_7-.Ltmp5, $4  }
0x44: {  	s12 =	sshll.u32 s12, $0xC;
	s11 =	sshll.u32 s11, $0x4  }
0x45: {  	s11 =	sand.u32 $0x1F0, s11;
	s12 =	sadd.s32 s3, s12  }
0x46: {  	s11 =	sadd.s32 s11, s12  }
0x47: {  	[hbm4b:s11+s6] =	stream.strided.scatter [tilespmem:s14], [sflag:$0x2], $0x4000, s7, s6, $0x38;
	[tilespmem:$0x10000] =	vst v63  }
.LBB1_8:
0x48: {  	_ =	sfence.sel $0x180000  }
0x49: {  	s2 =	simm.s32 $0x1;
	[bflag:$0x0] =	sbarrier.arrive $0xFFFF  }
0x4a: {  	s31 =	simm.s32 $0x2;
	[sflag:s2] =	ssyncpa.u1 $0x1  }
0x4b: {  	[sflag:s31] =	ssyncpa.u1 $0x1  }
0x4c: {  	p0 =	sne.s32 s1, $0x0;
	_ =	strace $0x90000047  }
0x4d: {  	s0 =	sadd.s32 @!p0 $0x100000, s0;
	[bflag:$0x2] =	sbarrier.arrive $0xFFFF  }
0x4e: {  	[sflag:s0] =	ssyncadd.tile.s32 @!p0 $0x1;
	_ =	shalt  }
.Lfunc_end1:
_tile_overlayer_lowered:
.L_overlay_start_2:
0x4f: {  	(tag) =	ssettag $0x2  }
0x50: {  	s0 =	rddreg [dreg:$0x0];
	s2 =	stileid.u32  }
0x51: {  	s1 =	rddreg [dreg:$0x1];
	p0 =	sne.s32 s2, $0x0  }
0x52: {  	s3 =	rddreg [dreg:$0x2];
	[bflag:$0x3] =	sbarrier.arrive $0xFFFF;
	s2 =	simm.s32 @!p0 $0x1C01  }
0x53: {  	[timem:s3], [sflag:s2] =	dma.local @!p0 [hbm:s0], s1  }
0x54: {  	s0 =	simm.s32 @!p0 $0x1  }
0x55: {  	_ =	swait.ge @!p0 [sflag:s0], s1  }
0x56: {  	s1 =	ssub.s32 @!p0 $0x0, s1;
	[sflag:s0] =	ssyncset.done @!p0 $0x0  }
0x57: {  	[sflag:s0] =	ssyncadd.s32 @!p0 s1  }
0x58: {  	[bflag:$0x3] =	sbarrier.arrive $0xFFFF  }
0x59: {  	_ =	shalt  }

</sc_bundles>
